<compile_context>
chip_gen: v7x
topology: tpu7x:2x2x1
jax: 0.10.2.dev20260603
libtpu: 0.0.44.dev20260713+nightly
codegen_flags: <defaults>
</compile_context>

<pallas_src>
import functools

import jax
import jax.numpy as jnp
from jax import lax
from jax.experimental import pallas as pl
from jax.experimental.pallas import tpu as pltpu
from jax.experimental.pallas import tpu_sc as plsc

N_NODES = 10000
N_EDGES = 320000
D = 128
N_CLASS = 10
N_GRAPHS = 64

NW = 32
ROWS_PAD = 10240
ROWS_PER_TILE = ROWS_PAD // 16
E_PER_TILE = 10240
E_PAD = NW * E_PER_TILE
CHUNK = 128
N_CHUNKS = E_PER_TILE // CHUNK
DEG_ROWS = ROWS_PAD // 128


def _sc_body(src_hbm, dst_hbm, x_hbm, zag_hbm,
             parts_out, deg_out,
             src0, src1, dst0, dst1, msg0, msg1, hist_v, agg_sh,
             gsem0, gsem1, ssem0, ssem1):
    c = lax.axis_index("c")
    s = lax.axis_index("s")
    wid = s * 2 + c

    rbase = s * ROWS_PER_TILE
    for j in range(ROWS_PER_TILE // CHUNK):
        pltpu.sync_copy(zag_hbm, agg_sh.at[pl.ds(rbase + j * CHUNK, CHUNK)])
    pltpu.sync_copy(zag_hbm.at[pl.ds(0, DEG_ROWS)], hist_v)
    plsc.subcore_barrier()

    ones16 = jnp.ones((16,), jnp.float32)
    srcs = (src0, src1)
    dsts = (dst0, dst1)
    msgs = (msg0, msg1)
    gsems = (gsem0, gsem1)
    ssems = (ssem0, ssem1)
    ebase = wid * E_PER_TILE

    def load_idx(cj, b):
        base = ebase + cj * CHUNK
        pltpu.sync_copy(src_hbm.at[pl.ds(base, CHUNK)], srcs[b])
        pltpu.sync_copy(dst_hbm.at[pl.ds(base, CHUNK)], dsts[b])

    def hist_chunk(b):
        for g in range(CHUNK // 16):
            idx16 = dsts[b][pl.ds(g * 16, 16)]
            r16 = jnp.right_shift(idx16, 7)
            c16 = jnp.bitwise_and(idx16, 127)
            plsc.addupdate_scatter(hist_v, [r16, c16], ones16)

    load_idx(0, 0)
    pltpu.async_copy(x_hbm.at[src0], msg0, gsem0)

    def scatter_chunk(b):
        pltpu.sync_copy(msgs[b], agg_sh.at[dsts[b]], add=True)
        hist_chunk(b)

    def pair_body(jp, carry):
        for b in range(2):
            cj = jp * 2 + b
            o = 1 - b
            if b == 0:
                @pl.when(jp > 0)
                def _():
                    scatter_chunk(1)
                load_idx(cj + 1, 1)
            else:
                scatter_chunk(0)

                @pl.when(jp < N_CHUNKS // 2 - 1)
                def _():
                    load_idx(cj + 1, 0)
            pltpu.make_async_copy(x_hbm.at[srcs[b]], msgs[b], gsems[b]).wait()
            if b == 0:
                pltpu.async_copy(x_hbm.at[src1], msg1, gsem1)
            else:
                @pl.when(jp < N_CHUNKS // 2 - 1)
                def _():
                    pltpu.async_copy(x_hbm.at[src0], msg0, gsem0)
        return carry

    lax.fori_loop(0, N_CHUNKS // 2, pair_body, 0)
    scatter_chunk(1)
    plsc.subcore_barrier()

    for j in range(ROWS_PER_TILE // CHUNK):
        pltpu.sync_copy(agg_sh.at[pl.ds(rbase + j * CHUNK, CHUNK)],
                        parts_out.at[c, pl.ds(rbase + j * CHUNK, CHUNK)])
    pltpu.sync_copy(hist_v, deg_out.at[wid])


@functools.cache
def _make_sc_scatter():
    mesh = plsc.VectorSubcoreMesh(core_axis_name="c", subcore_axis_name="s",
                                  num_cores=2, num_subcores=16)
    return pl.kernel(
        _sc_body,
        out_type=[
            jax.ShapeDtypeStruct((2, ROWS_PAD, D), jnp.float32),
            jax.ShapeDtypeStruct((NW, DEG_ROWS, 128), jnp.float32),
        ],
        mesh=mesh,
        scratch_types=[
            pltpu.VMEM((CHUNK,), jnp.int32),
            pltpu.VMEM((CHUNK,), jnp.int32),
            pltpu.VMEM((CHUNK,), jnp.int32),
            pltpu.VMEM((CHUNK,), jnp.int32),
            pltpu.VMEM((CHUNK, D), jnp.float32),
            pltpu.VMEM((CHUNK, D), jnp.float32),
            pltpu.VMEM((DEG_ROWS, 128), jnp.float32),
            pltpu.VMEM_SHARED((ROWS_PAD, D), jnp.float32),
            pltpu.SemaphoreType.DMA,
            pltpu.SemaphoreType.DMA,
            pltpu.SemaphoreType.DMA,
            pltpu.SemaphoreType.DMA,
        ],
        compiler_params=pltpu.CompilerParams(needs_layout_passes=False),
    )


ROW_BLK = 1024
N_BLK = ROWS_PAD // ROW_BLK
SUB = 128
N_SUB = ROW_BLK // SUB


def _tc_body(parts_ref, deg_ref, batch_ref, wc_ref, bc_ref, wf_ref, bf_ref,
             out_ref, gsum, cnt):
    i = pl.program_id(0)

    @pl.when(i == 0)
    def _():
        gsum[...] = jnp.zeros_like(gsum)
        cnt[...] = jnp.zeros_like(cnt)

    p = parts_ref[0] + parts_ref[1]
    dsum = deg_ref[0]
    for t in range(1, NW):
        dsum = dsum + deg_ref[t]
    dsum = jnp.maximum(dsum, 1.0)

    for k in range(N_SUB):
        pk = p[k * SUB:(k + 1) * SUB, :]
        hT = lax.dot_general(wc_ref[...], pk, (((0,), (1,)), ((), ())),
                             preferred_element_type=jnp.float32)
        hT = hT / dsum[k:k + 1, :]
        hT = jnp.maximum(hT + bc_ref[...], 0.0)
        bk = batch_ref[pl.ds(k * SUB, SUB), :]
        ohk = (bk == lax.broadcasted_iota(jnp.int32, (SUB, N_GRAPHS), 1)
               ).astype(jnp.float32)
        gsum[...] += lax.dot_general(hT, ohk, (((1,), (0,)), ((), ())),
                                     preferred_element_type=jnp.float32)
        cnt[...] += jnp.sum(ohk, axis=0, keepdims=True)

    @pl.when(i == N_BLK - 1)
    def _():
        gT = gsum[...] / jnp.maximum(cnt[...], 1.0)
        out_ref[...] = lax.dot_general(
            gT, wf_ref[...], (((0,), (0,)), ((), ())),
            preferred_element_type=jnp.float32) + bf_ref[...]


_tc_finish = pl.pallas_call(
    _tc_body,
    grid=(N_BLK,),
    in_specs=[
        pl.BlockSpec((2, ROW_BLK, D), lambda i: (0, i, 0)),
        pl.BlockSpec((NW, ROW_BLK // 128, 128), lambda i: (0, i, 0)),
        pl.BlockSpec((ROW_BLK, 1), lambda i: (i, 0)),
        pl.BlockSpec((D, D), lambda i: (0, 0)),
        pl.BlockSpec((D, 1), lambda i: (0, 0)),
        pl.BlockSpec((D, N_CLASS), lambda i: (0, 0)),
        pl.BlockSpec((1, N_CLASS), lambda i: (0, 0)),
    ],
    out_specs=pl.BlockSpec((N_GRAPHS, N_CLASS), lambda i: (0, 0)),
    out_shape=jax.ShapeDtypeStruct((N_GRAPHS, N_CLASS), jnp.float32),
    scratch_shapes=[
        pltpu.VMEM((D, N_GRAPHS), jnp.float32),
        pltpu.VMEM((1, N_GRAPHS), jnp.float32),
    ],
)


def kernel(x, edge_index, batch, W_conv, b_conv, W_fc, b_fc):
    src = edge_index[0].astype(jnp.int32)
    dst = edge_index[1].astype(jnp.int32)
    pad = E_PAD - N_EDGES
    src = jnp.concatenate([src, jnp.zeros((pad,), jnp.int32)])
    dst = jnp.concatenate([dst, jnp.full((pad,), N_NODES, jnp.int32)])
    zag = jnp.zeros((CHUNK, D), jnp.float32)

    parts, degw = _make_sc_scatter()(src, dst, x, zag)

    batch_pad = jnp.concatenate(
        [batch.astype(jnp.int32),
         jnp.full((ROWS_PAD - N_NODES,), N_GRAPHS, jnp.int32)]
    ).reshape(ROWS_PAD, 1)
    return _tc_finish(parts, degw, batch_pad, W_conv,
                      b_conv.reshape(D, 1), W_fc, b_fc.reshape(1, N_CLASS))

# --- scband reference (transcript-rebuilt; emitter-appended) ---
"""Pipeline reference for scband-graph-cls-model-54855322304745 (READ-ONLY COPY).

The authoritative reference and input builder live on the scoring server;
editing this copy changes nothing except your own understanding.
"""

import jax, jax.numpy as jnp
import numpy as np

N_NODES = 10000
N_EDGES = 320000
D_FEAT = 128
OUT_CH = 128
N_CLASS = 10
N_GRAPHS = 64


def setup_inputs(seed: int = 0) -> dict:
    key = jax.random.key(seed)
    k1, k2, k3, k4, k5 = jax.random.split(key, 5)
    x = jax.random.normal(k1, (N_NODES, D_FEAT), dtype=jnp.float32)
    edge_index = jax.random.randint(k2, (2, N_EDGES), 0, N_NODES, dtype=jnp.int64)
    batch = jnp.sort(jax.random.randint(k3, (N_NODES,), 0, N_GRAPHS, dtype=jnp.int64))
    W_conv = jax.random.normal(k4, (D_FEAT, OUT_CH), dtype=jnp.float32) * 0.05
    b_conv = jnp.zeros((OUT_CH,), dtype=jnp.float32)
    W_fc = jax.random.normal(k5, (OUT_CH, N_CLASS), dtype=jnp.float32) * 0.05
    b_fc = jnp.zeros((N_CLASS,), dtype=jnp.float32)
    return {"x": x, "edge_index": edge_index, "batch": batch,
            "W_conv": W_conv, "b_conv": b_conv, "W_fc": W_fc, "b_fc": b_fc}


def reference(x, edge_index, batch, W_conv, b_conv, W_fc, b_fc):
    # self.model(x, edge_index): mean-aggregation graph conv
    src = edge_index[0]
    dst = edge_index[1]
    msg = jnp.take(x, src, axis=0)                       # gather [E, d]
    agg = jax.ops.segment_sum(msg, dst, num_segments=N_NODES)   # scatter-add
    deg = jax.ops.segment_sum(jnp.ones((N_EDGES,), dtype=jnp.float32), dst,
                              num_segments=N_NODES)
    deg = jnp.maximum(deg, 1.0)
    h = agg / deg[:, None]
    h = h @ W_conv + b_conv
    h = jax.nn.relu(h)
    # readout_function(h, 'mean', batch): per-graph mean pooling
    g_sum = jax.ops.segment_sum(h, batch, num_segments=N_GRAPHS)
    g_cnt = jax.ops.segment_sum(jnp.ones((N_NODES,), dtype=jnp.float32), batch,
                                num_segments=N_GRAPHS)
    g_cnt = jnp.maximum(g_cnt, 1.0)
    g = g_sum / g_cnt[:, None]
    # self.fc(h)
    return g @ W_fc + b_fc

if __name__ == "__main__":
    import jax
    _d = setup_inputs()
    print(jax.jit(kernel)(*tuple(_d.values())))

</pallas_src>

<mosaic_0001>
#map = affine_map<(d0, d1) -> (0)>
#map1 = affine_map<(d0, d1) -> (0, 0)>
#map2 = affine_map<(d0, d1) -> (0, 0, 0)>
module attributes {stable_mosaic.version = 14 : i64} {
  func.func @_sc_body(%arg0: i32, %arg1: i32, %arg2: memref<327680xi32, #tpu.memory_space<hbm>>, %arg3: memref<327680xi32, #tpu.memory_space<hbm>>, %arg4: memref<10000x128xf32, #tpu.memory_space<hbm>>, %arg5: memref<128x128xf32, #tpu.memory_space<hbm>>, %arg6: memref<2x10240x128xf32, #tpu.memory_space<hbm>>, %arg7: memref<32x80x128xf32, #tpu.memory_space<hbm>>, %arg8: memref<128xi32, #tpu.memory_space<vmem>>, %arg9: memref<128xi32, #tpu.memory_space<vmem>>, %arg10: memref<128xi32, #tpu.memory_space<vmem>>, %arg11: memref<128xi32, #tpu.memory_space<vmem>>, %arg12: memref<128x128xf32, #tpu.memory_space<vmem>>, %arg13: memref<128x128xf32, #tpu.memory_space<vmem>>, %arg14: memref<80x128xf32, #tpu.memory_space<vmem>>, %arg15: memref<10240x128xf32, #tpu.memory_space<vmem_shared>>, %arg16: memref<!tpu.dma_semaphore, #tpu.memory_space<semaphore_mem>>, %arg17: memref<!tpu.dma_semaphore, #tpu.memory_space<semaphore_mem>>, %arg18: memref<!tpu.dma_semaphore, #tpu.memory_space<semaphore_mem>>, %arg19: memref<!tpu.dma_semaphore, #tpu.memory_space<semaphore_mem>>) attributes {dimension_semantics = [#tpu.dimension_semantics<core_parallel>, #tpu.dimension_semantics<subcore_parallel>], iteration_bounds = array<i64: 2, 16>, scalar_prefetch = 0 : i64, scratch_operands = 12 : i64, tpu.core_type = #tpu.core_type<sc_vector_subcore>, window_params = [{transform_indices = #map}, {transform_indices = #map}, {transform_indices = #map1}, {transform_indices = #map1}, {transform_indices = #map2}, {transform_indices = #map2}]} {
    %mul3A = arith.constant 2 : i32
    %mul3A_0 = arith.muli %arg1, %mul3A : i32
    %add3A = arith.addi %mul3A_0, %arg0 : i32
    %mul3A_1 = arith.constant 640 : i32
    %mul3A_2 = arith.muli %arg1, %mul3A_1 : i32
    %add3A_3 = arith.constant 0 : i32
    %add3A_4 = arith.addi %mul3A_2, %add3A_3 : i32
    "tpu.region"() ({
      %run_scoped3A = tpu.sem_alloc : memref<!tpu.dma_semaphore, #tpu.memory_space<semaphore_mem>>
      %dma_start3A_107 = arith.constant 0 : i32
      %dma_start3A_108 = tpu.memref_slice %arg15[%add3A_4, %dma_start3A_107] : memref<10240x128xf32, #tpu.memory_space<vmem_shared>> -> memref<128x128xf32, #tpu.memory_space<vmem_shared>>
      tpu.enqueue_dma source(%arg5 : memref<128x128xf32, #tpu.memory_space<hbm>>) target(%dma_start3A_108 : memref<128x128xf32, #tpu.memory_space<vmem_shared>>) target_semaphore(%run_scoped3A : memref<!tpu.dma_semaphore, #tpu.memory_space<semaphore_mem>>)
      %dma_wait3A = arith.constant 0 : i32
      %dma_wait3A_109 = tpu.memref_slice %arg15[%add3A_4, %dma_wait3A] : memref<10240x128xf32, #tpu.memory_space<vmem_shared>> -> memref<128x128xf32, #tpu.memory_space<vmem_shared>>
      tpu.wait_dma2 semaphore(%run_scoped3A : memref<!tpu.dma_semaphore, #tpu.memory_space<semaphore_mem>>) src(%arg5 : memref<128x128xf32, #tpu.memory_space<hbm>>) dst(%dma_wait3A_109 : memref<128x128xf32, #tpu.memory_space<vmem_shared>>)
      tpu.yield
    }) : () -> ()
    %add3A_5 = arith.constant 128 : i32
    %add3A_6 = arith.addi %mul3A_2, %add3A_5 : i32
    "tpu.region"() ({
      %run_scoped3A = tpu.sem_alloc : memref<!tpu.dma_semaphore, #tpu.memory_space<semaphore_mem>>
      %dma_start3A_107 = arith.constant 0 : i32
      %dma_start3A_108 = tpu.memref_slice %arg15[%add3A_6, %dma_start3A_107] : memref<10240x128xf32, #tpu.memory_space<vmem_shared>> -> memref<128x128xf32, #tpu.memory_space<vmem_shared>>
      tpu.enqueue_dma source(%arg5 : memref<128x128xf32, #tpu.memory_space<hbm>>) target(%dma_start3A_108 : memref<128x128xf32, #tpu.memory_space<vmem_shared>>) target_semaphore(%run_scoped3A : memref<!tpu.dma_semaphore, #tpu.memory_space<semaphore_mem>>)
      %dma_wait3A = arith.constant 0 : i32
      %dma_wait3A_109 = tpu.memref_slice %arg15[%add3A_6, %dma_wait3A] : memref<10240x128xf32, #tpu.memory_space<vmem_shared>> -> memref<128x128xf32, #tpu.memory_space<vmem_shared>>
      tpu.wait_dma2 semaphore(%run_scoped3A : memref<!tpu.dma_semaphore, #tpu.memory_space<semaphore_mem>>) src(%arg5 : memref<128x128xf32, #tpu.memory_space<hbm>>) dst(%dma_wait3A_109 : memref<128x128xf32, #tpu.memory_space<vmem_shared>>)
      tpu.yield
    }) : () -> ()
    %add3A_7 = arith.constant 256 : i32
    %add3A_8 = arith.addi %mul3A_2, %add3A_7 : i32
    "tpu.region"() ({
      %run_scoped3A = tpu.sem_alloc : memref<!tpu.dma_semaphore, #tpu.memory_space<semaphore_mem>>
      %dma_start3A_107 = arith.constant 0 : i32
      %dma_start3A_108 = tpu.memref_slice %arg15[%add3A_8, %dma_start3A_107] : memref<10240x128xf32, #tpu.memory_space<vmem_shared>> -> memref<128x128xf32, #tpu.memory_space<vmem_shared>>
      tpu.enqueue_dma source(%arg5 : memref<128x128xf32, #tpu.memory_space<hbm>>) target(%dma_start3A_108 : memref<128x128xf32, #tpu.memory_space<vmem_shared>>) target_semaphore(%run_scoped3A : memref<!tpu.dma_semaphore, #tpu.memory_space<semaphore_mem>>)
      %dma_wait3A = arith.constant 0 : i32
      %dma_wait3A_109 = tpu.memref_slice %arg15[%add3A_8, %dma_wait3A] : memref<10240x128xf32, #tpu.memory_space<vmem_shared>> -> memref<128x128xf32, #tpu.memory_space<vmem_shared>>
      tpu.wait_dma2 semaphore(%run_scoped3A : memref<!tpu.dma_semaphore, #tpu.memory_space<semaphore_mem>>) src(%arg5 : memref<128x128xf32, #tpu.memory_space<hbm>>) dst(%dma_wait3A_109 : memref<128x128xf32, #tpu.memory_space<vmem_shared>>)
      tpu.yield
    }) : () -> ()
    %add3A_9 = arith.constant 384 : i32
    %add3A_10 = arith.addi %mul3A_2, %add3A_9 : i32
    "tpu.region"() ({
      %run_scoped3A = tpu.sem_alloc : memref<!tpu.dma_semaphore, #tpu.memory_space<semaphore_mem>>
      %dma_start3A_107 = arith.constant 0 : i32
      %dma_start3A_108 = tpu.memref_slice %arg15[%add3A_10, %dma_start3A_107] : memref<10240x128xf32, #tpu.memory_space<vmem_shared>> -> memref<128x128xf32, #tpu.memory_space<vmem_shared>>
      tpu.enqueue_dma source(%arg5 : memref<128x128xf32, #tpu.memory_space<hbm>>) target(%dma_start3A_108 : memref<128x128xf32, #tpu.memory_space<vmem_shared>>) target_semaphore(%run_scoped3A : memref<!tpu.dma_semaphore, #tpu.memory_space<semaphore_mem>>)
      %dma_wait3A = arith.constant 0 : i32
      %dma_wait3A_109 = tpu.memref_slice %arg15[%add3A_10, %dma_wait3A] : memref<10240x128xf32, #tpu.memory_space<vmem_shared>> -> memref<128x128xf32, #tpu.memory_space<vmem_shared>>
      tpu.wait_dma2 semaphore(%run_scoped3A : memref<!tpu.dma_semaphore, #tpu.memory_space<semaphore_mem>>) src(%arg5 : memref<128x128xf32, #tpu.memory_space<hbm>>) dst(%dma_wait3A_109 : memref<128x128xf32, #tpu.memory_space<vmem_shared>>)
      tpu.yield
    }) : () -> ()
    %add3A_11 = arith.constant 512 : i32
    %add3A_12 = arith.addi %mul3A_2, %add3A_11 : i32
    "tpu.region"() ({
      %run_scoped3A = tpu.sem_alloc : memref<!tpu.dma_semaphore, #tpu.memory_space<semaphore_mem>>
      %dma_start3A_107 = arith.constant 0 : i32
      %dma_start3A_108 = tpu.memref_slice %arg15[%add3A_12, %dma_start3A_107] : memref<10240x128xf32, #tpu.memory_space<vmem_shared>> -> memref<128x128xf32, #tpu.memory_space<vmem_shared>>
      tpu.enqueue_dma source(%arg5 : memref<128x128xf32, #tpu.memory_space<hbm>>) target(%dma_start3A_108 : memref<128x128xf32, #tpu.memory_space<vmem_shared>>) target_semaphore(%run_scoped3A : memref<!tpu.dma_semaphore, #tpu.memory_space<semaphore_mem>>)
      %dma_wait3A = arith.constant 0 : i32
      %dma_wait3A_109 = tpu.memref_slice %arg15[%add3A_12, %dma_wait3A] : memref<10240x128xf32, #tpu.memory_space<vmem_shared>> -> memref<128x128xf32, #tpu.memory_space<vmem_shared>>
      tpu.wait_dma2 semaphore(%run_scoped3A : memref<!tpu.dma_semaphore, #tpu.memory_space<semaphore_mem>>) src(%arg5 : memref<128x128xf32, #tpu.memory_space<hbm>>) dst(%dma_wait3A_109 : memref<128x128xf32, #tpu.memory_space<vmem_shared>>)
      tpu.yield
    }) : () -> ()
    "tpu.region"() ({
      %run_scoped3A = tpu.sem_alloc : memref<!tpu.dma_semaphore, #tpu.memory_space<semaphore_mem>>
      %dma_start3A_107 = arith.constant 0 : i32
      %dma_start3A_108 = arith.constant 0 : i32
      %dma_start3A_109 = tpu.memref_slice %arg5[%dma_start3A_107, %dma_start3A_108] : memref<128x128xf32, #tpu.memory_space<hbm>> -> memref<80x128xf32, #tpu.memory_space<hbm>>
      %dma_start3A_110 = arith.constant 0 : i32
      %dma_start3A_111 = arith.constant 0 : i32
      %dma_start3A_112 = tpu.memref_slice %arg5[%dma_start3A_110, %dma_start3A_111] : memref<128x128xf32, #tpu.memory_space<hbm>> -> memref<80x128xf32, #tpu.memory_space<hbm>>
      tpu.enqueue_dma source(%dma_start3A_112 : memref<80x128xf32, #tpu.memory_space<hbm>>) target(%arg14 : memref<80x128xf32, #tpu.memory_space<vmem>>) target_semaphore(%run_scoped3A : memref<!tpu.dma_semaphore, #tpu.memory_space<semaphore_mem>>)
      %dma_wait3A = arith.constant 0 : i32
      %dma_wait3A_113 = arith.constant 0 : i32
      %dma_wait3A_114 = tpu.memref_slice %arg5[%dma_wait3A, %dma_wait3A_113] : memref<128x128xf32, #tpu.memory_space<hbm>> -> memref<80x128xf32, #tpu.memory_space<hbm>>
      %dma_wait3A_115 = arith.constant 0 : i32
      %dma_wait3A_116 = arith.constant 0 : i32
      %dma_wait3A_117 = tpu.memref_slice %arg5[%dma_wait3A_115, %dma_wait3A_116] : memref<128x128xf32, #tpu.memory_space<hbm>> -> memref<80x128xf32, #tpu.memory_space<hbm>>
      tpu.wait_dma2 semaphore(%run_scoped3A : memref<!tpu.dma_semaphore, #tpu.memory_space<semaphore_mem>>) src(%dma_wait3A_117 : memref<80x128xf32, #tpu.memory_space<hbm>>) dst(%arg14 : memref<80x128xf32, #tpu.memory_space<vmem>>)
      tpu.yield
    }) : () -> ()
    %barrier3A = arith.constant 0 : index
    tpu.barrier barrier_id(%barrier3A)
    %broadcast_in_dim3A = arith.constant 1.000000e+00 : f32
    %broadcast_in_dim3A_13 = vector.broadcast %broadcast_in_dim3A : f32 to vector<16xf32>
    %mul3A_14 = arith.constant 10240 : i32
    %mul3A_15 = arith.muli %add3A, %mul3A_14 : i32
    %add3A_16 = arith.constant 0 : i32
    %add3A_17 = arith.addi %mul3A_15, %add3A_16 : i32
    "tpu.region"() ({
      %run_scoped3A = tpu.sem_alloc : memref<!tpu.dma_semaphore, #tpu.memory_space<semaphore_mem>>
      %dma_start3A_107 = tpu.memref_slice %arg2[%add3A_17] : memref<327680xi32, #tpu.memory_space<hbm>> -> memref<128xi32, #tpu.memory_space<hbm>>
      %dma_start3A_108 = tpu.memref_slice %arg2[%add3A_17] : memref<327680xi32, #tpu.memory_space<hbm>> -> memref<128xi32, #tpu.memory_space<hbm>>
      tpu.enqueue_dma source(%dma_start3A_108 : memref<128xi32, #tpu.memory_space<hbm>>) target(%arg8 : memref<128xi32, #tpu.memory_space<vmem>>) target_semaphore(%run_scoped3A : memref<!tpu.dma_semaphore, #tpu.memory_space<semaphore_mem>>)
      %dma_wait3A = tpu.memref_slice %arg2[%add3A_17] : memref<327680xi32, #tpu.memory_space<hbm>> -> memref<128xi32, #tpu.memory_space<hbm>>
      %dma_wait3A_109 = tpu.memref_slice %arg2[%add3A_17] : memref<327680xi32, #tpu.memory_space<hbm>> -> memref<128xi32, #tpu.memory_space<hbm>>
      tpu.wait_dma2 semaphore(%run_scoped3A : memref<!tpu.dma_semaphore, #tpu.memory_space<semaphore_mem>>) src(%dma_wait3A_109 : memref<128xi32, #tpu.memory_space<hbm>>) dst(%arg8 : memref<128xi32, #tpu.memory_space<vmem>>)
      tpu.yield
    }) : () -> ()
    "tpu.region"() ({
      %run_scoped3A = tpu.sem_alloc : memref<!tpu.dma_semaphore, #tpu.memory_space<semaphore_mem>>
      %dma_start3A_107 = tpu.memref_slice %arg3[%add3A_17] : memref<327680xi32, #tpu.memory_space<hbm>> -> memref<128xi32, #tpu.memory_space<hbm>>
      %dma_start3A_108 = tpu.memref_slice %arg3[%add3A_17] : memref<327680xi32, #tpu.memory_space<hbm>> -> memref<128xi32, #tpu.memory_space<hbm>>
      tpu.enqueue_dma source(%dma_start3A_108 : memref<128xi32, #tpu.memory_space<hbm>>) target(%arg10 : memref<128xi32, #tpu.memory_space<vmem>>) target_semaphore(%run_scoped3A : memref<!tpu.dma_semaphore, #tpu.memory_space<semaphore_mem>>)
      %dma_wait3A = tpu.memref_slice %arg3[%add3A_17] : memref<327680xi32, #tpu.memory_space<hbm>> -> memref<128xi32, #tpu.memory_space<hbm>>
      %dma_wait3A_109 = tpu.memref_slice %arg3[%add3A_17] : memref<327680xi32, #tpu.memory_space<hbm>> -> memref<128xi32, #tpu.memory_space<hbm>>
      tpu.wait_dma2 semaphore(%run_scoped3A : memref<!tpu.dma_semaphore, #tpu.memory_space<semaphore_mem>>) src(%dma_wait3A_109 : memref<128xi32, #tpu.memory_space<hbm>>) dst(%arg10 : memref<128xi32, #tpu.memory_space<vmem>>)
      tpu.yield
    }) : () -> ()
    %dma_start3A = arith.constant 0 : i32
    %dma_start3A_18 = arith.constant 0 : i32
    %dma_start3A_19 = tpu.memref_slice %arg4[%dma_start3A, %dma_start3A_18] : memref<10000x128xf32, #tpu.memory_space<hbm>> -> memref<10000x128xf32, #tpu.memory_space<hbm>>
    tpu.enqueue_indirect_dma source(%dma_start3A_19 : memref<10000x128xf32, #tpu.memory_space<hbm>>) target(%arg12 : memref<128x128xf32, #tpu.memory_space<vmem>>) offsets(%arg8 : memref<128xi32, #tpu.memory_space<vmem>>) semaphore(%arg16 : memref<!tpu.dma_semaphore, #tpu.memory_space<semaphore_mem>>)
    %scan3A = arith.constant 0 : i32
    %scan3A_20 = arith.constant 0 : i32
    %scan3A_21 = arith.constant 40 : i32
    %scan3A_22 = arith.addi %scan3A_20, %scan3A_21 : i32
    %scan3A_23 = arith.constant 1 : i32
    scf.for %scan3A_107 = %scan3A_20 to %scan3A_22 step %scan3A_23  : i32 {
      %mul3A_108 = arith.constant 2 : i32
      %mul3A_109 = arith.muli %scan3A_107, %mul3A_108 : i32
      %add3A_110 = arith.constant 0 : i32
      %add3A_111 = arith.addi %mul3A_109, %add3A_110 : i32
      %gt3A = arith.constant 0 : i32
      %gt3A_112 = arith.cmpi sgt, %scan3A_107, %gt3A : i32
      %convert_element_type3A = arith.extui %gt3A_112 : i1 to i32
      %cond3A = arith.constant 0 : i32
      %cond3A_113 = arith.cmpi ne, %convert_element_type3A, %cond3A : i32
      scf.if %cond3A_113 {
        "tpu.region"() ({
          %run_scoped3A = tpu.sem_alloc : memref<!tpu.dma_semaphore, #tpu.memory_space<semaphore_mem>>
          %dma_start3A_268 = arith.constant 0 : i32
          %dma_start3A_269 = arith.constant 0 : i32
          %dma_start3A_270 = tpu.memref_slice %arg15[%dma_start3A_268, %dma_start3A_269] : memref<10240x128xf32, #tpu.memory_space<vmem_shared>> -> memref<10240x128xf32, #tpu.memory_space<vmem_shared>>
          tpu.enqueue_indirect_dma source(%arg13 : memref<128x128xf32, #tpu.memory_space<vmem>>) target(%dma_start3A_270 : memref<10240x128xf32, #tpu.memory_space<vmem_shared>>) offsets(%arg11 : memref<128xi32, #tpu.memory_space<vmem>>) semaphore(%run_scoped3A : memref<!tpu.dma_semaphore, #tpu.memory_space<semaphore_mem>>) {add = true}
          %dma_wait3A_271 = arith.constant 0 : i32
          %dma_wait3A_272 = arith.constant 0 : i32
          %dma_wait3A_273 = tpu.memref_slice %arg15[%dma_wait3A_271, %dma_wait3A_272] : memref<10240x128xf32, #tpu.memory_space<vmem_shared>> -> memref<10240x128xf32, #tpu.memory_space<vmem_shared>>
          tpu.wait_indirect_dma semaphore(%run_scoped3A : memref<!tpu.dma_semaphore, #tpu.memory_space<semaphore_mem>>) src(%arg13 : memref<128x128xf32, #tpu.memory_space<vmem>>) dst(%dma_wait3A_273 : memref<10240x128xf32, #tpu.memory_space<vmem_shared>>)
          tpu.yield
        }) : () -> ()
        %get3A_204 = arith.constant 0 : index
        %get3A_205 = tpu.vector_load %arg11[%get3A_204] {strides = array<i32>} : memref<128xi32, #tpu.memory_space<vmem>>, vector<16xi32>,
        %shift_right_arithmetic3A_206 = arith.constant 7 : i32
        %shift_right_arithmetic3A_207 = vector.broadcast %shift_right_arithmetic3A_206 : i32 to vector<16xi32>
        %shift_right_arithmetic3A_208 = arith.shrsi %get3A_205, %shift_right_arithmetic3A_207 : vector<16xi32>
        %and3A_209 = arith.constant 127 : i32
        %and3A_210 = vector.broadcast %and3A_209 : i32 to vector<16xi32>
        %and3A_211 = arith.andi %get3A_205, %and3A_210 : vector<16xi32>
        tpu.vector_store_idx %arg14[%shift_right_arithmetic3A_208, %and3A_211], %broadcast_in_dim3A_13 {add = true} : memref<80x128xf32, #tpu.memory_space<vmem>>[vector<16xi32>, vector<16xi32>], vector<16xf32>,
        %get3A_212 = arith.constant 16 : index
        %get3A_213 = tpu.vector_load %arg11[%get3A_212] {strides = array<i32>} : memref<128xi32, #tpu.memory_space<vmem>>, vector<16xi32>,
        %shift_right_arithmetic3A_214 = arith.constant 7 : i32
        %shift_right_arithmetic3A_215 = vector.broadcast %shift_right_arithmetic3A_214 : i32 to vector<16xi32>
        %shift_right_arithmetic3A_216 = arith.shrsi %get3A_213, %shift_right_arithmetic3A_215 : vector<16xi32>
        %and3A_217 = arith.constant 127 : i32
        %and3A_218 = vector.broadcast %and3A_217 : i32 to vector<16xi32>
        %and3A_219 = arith.andi %get3A_213, %and3A_218 : vector<16xi32>
        tpu.vector_store_idx %arg14[%shift_right_arithmetic3A_216, %and3A_219], %broadcast_in_dim3A_13 {add = true} : memref<80x128xf32, #tpu.memory_space<vmem>>[vector<16xi32>, vector<16xi32>], vector<16xf32>,
        %get3A_220 = arith.constant 32 : index
        %get3A_221 = tpu.vector_load %arg11[%get3A_220] {strides = array<i32>} : memref<128xi32, #tpu.memory_space<vmem>>, vector<16xi32>,
        %shift_right_arithmetic3A_222 = arith.constant 7 : i32
        %shift_right_arithmetic3A_223 = vector.broadcast %shift_right_arithmetic3A_222 : i32 to vector<16xi32>
        %shift_right_arithmetic3A_224 = arith.shrsi %get3A_221, %shift_right_arithmetic3A_223 : vector<16xi32>
        %and3A_225 = arith.constant 127 : i32
        %and3A_226 = vector.broadcast %and3A_225 : i32 to vector<16xi32>
        %and3A_227 = arith.andi %get3A_221, %and3A_226 : vector<16xi32>
        tpu.vector_store_idx %arg14[%shift_right_arithmetic3A_224, %and3A_227], %broadcast_in_dim3A_13 {add = true} : memref<80x128xf32, #tpu.memory_space<vmem>>[vector<16xi32>, vector<16xi32>], vector<16xf32>,
        %get3A_228 = arith.constant 48 : index
        %get3A_229 = tpu.vector_load %arg11[%get3A_228] {strides = array<i32>} : memref<128xi32, #tpu.memory_space<vmem>>, vector<16xi32>,
        %shift_right_arithmetic3A_230 = arith.constant 7 : i32
        %shift_right_arithmetic3A_231 = vector.broadcast %shift_right_arithmetic3A_230 : i32 to vector<16xi32>
        %shift_right_arithmetic3A_232 = arith.shrsi %get3A_229, %shift_right_arithmetic3A_231 : vector<16xi32>
        %and3A_233 = arith.constant 127 : i32
        %and3A_234 = vector.broadcast %and3A_233 : i32 to vector<16xi32>
        %and3A_235 = arith.andi %get3A_229, %and3A_234 : vector<16xi32>
        tpu.vector_store_idx %arg14[%shift_right_arithmetic3A_232, %and3A_235], %broadcast_in_dim3A_13 {add = true} : memref<80x128xf32, #tpu.memory_space<vmem>>[vector<16xi32>, vector<16xi32>], vector<16xf32>,
        %get3A_236 = arith.constant 64 : index
        %get3A_237 = tpu.vector_load %arg11[%get3A_236] {strides = array<i32>} : memref<128xi32, #tpu.memory_space<vmem>>, vector<16xi32>,
        %shift_right_arithmetic3A_238 = arith.constant 7 : i32
        %shift_right_arithmetic3A_239 = vector.broadcast %shift_right_arithmetic3A_238 : i32 to vector<16xi32>
        %shift_right_arithmetic3A_240 = arith.shrsi %get3A_237, %shift_right_arithmetic3A_239 : vector<16xi32>
        %and3A_241 = arith.constant 127 : i32
        %and3A_242 = vector.broadcast %and3A_241 : i32 to vector<16xi32>
        %and3A_243 = arith.andi %get3A_237, %and3A_242 : vector<16xi32>
        tpu.vector_store_idx %arg14[%shift_right_arithmetic3A_240, %and3A_243], %broadcast_in_dim3A_13 {add = true} : memref<80x128xf32, #tpu.memory_space<vmem>>[vector<16xi32>, vector<16xi32>], vector<16xf32>,
        %get3A_244 = arith.constant 80 : index
        %get3A_245 = tpu.vector_load %arg11[%get3A_244] {strides = array<i32>} : memref<128xi32, #tpu.memory_space<vmem>>, vector<16xi32>,
        %shift_right_arithmetic3A_246 = arith.constant 7 : i32
        %shift_right_arithmetic3A_247 = vector.broadcast %shift_right_arithmetic3A_246 : i32 to vector<16xi32>
        %shift_right_arithmetic3A_248 = arith.shrsi %get3A_245, %shift_right_arithmetic3A_247 : vector<16xi32>
        %and3A_249 = arith.constant 127 : i32
        %and3A_250 = vector.broadcast %and3A_249 : i32 to vector<16xi32>
        %and3A_251 = arith.andi %get3A_245, %and3A_250 : vector<16xi32>
        tpu.vector_store_idx %arg14[%shift_right_arithmetic3A_248, %and3A_251], %broadcast_in_dim3A_13 {add = true} : memref<80x128xf32, #tpu.memory_space<vmem>>[vector<16xi32>, vector<16xi32>], vector<16xf32>,
        %get3A_252 = arith.constant 96 : index
        %get3A_253 = tpu.vector_load %arg11[%get3A_252] {strides = array<i32>} : memref<128xi32, #tpu.memory_space<vmem>>, vector<16xi32>,
        %shift_right_arithmetic3A_254 = arith.constant 7 : i32
        %shift_right_arithmetic3A_255 = vector.broadcast %shift_right_arithmetic3A_254 : i32 to vector<16xi32>
        %shift_right_arithmetic3A_256 = arith.shrsi %get3A_253, %shift_right_arithmetic3A_255 : vector<16xi32>
        %and3A_257 = arith.constant 127 : i32
        %and3A_258 = vector.broadcast %and3A_257 : i32 to vector<16xi32>
        %and3A_259 = arith.andi %get3A_253, %and3A_258 : vector<16xi32>
        tpu.vector_store_idx %arg14[%shift_right_arithmetic3A_256, %and3A_259], %broadcast_in_dim3A_13 {add = true} : memref<80x128xf32, #tpu.memory_space<vmem>>[vector<16xi32>, vector<16xi32>], vector<16xf32>,
        %get3A_260 = arith.constant 112 : index
        %get3A_261 = tpu.vector_load %arg11[%get3A_260] {strides = array<i32>} : memref<128xi32, #tpu.memory_space<vmem>>, vector<16xi32>,
        %shift_right_arithmetic3A_262 = arith.constant 7 : i32
        %shift_right_arithmetic3A_263 = vector.broadcast %shift_right_arithmetic3A_262 : i32 to vector<16xi32>
        %shift_right_arithmetic3A_264 = arith.shrsi %get3A_261, %shift_right_arithmetic3A_263 : vector<16xi32>
        %and3A_265 = arith.constant 127 : i32
        %and3A_266 = vector.broadcast %and3A_265 : i32 to vector<16xi32>
        %and3A_267 = arith.andi %get3A_261, %and3A_266 : vector<16xi32>
        tpu.vector_store_idx %arg14[%shift_right_arithmetic3A_264, %and3A_267], %broadcast_in_dim3A_13 {add = true} : memref<80x128xf32, #tpu.memory_space<vmem>>[vector<16xi32>, vector<16xi32>], vector<16xf32>,
      } else {
      }
      %add3A_114 = arith.constant 1 : i32
      %add3A_115 = arith.addi %add3A_111, %add3A_114 : i32
      %mul3A_116 = arith.constant 128 : i32
      %mul3A_117 = arith.muli %add3A_115, %mul3A_116 : i32
      %add3A_118 = arith.addi %mul3A_15, %mul3A_117 : i32
      "tpu.region"() ({
        %run_scoped3A = tpu.sem_alloc : memref<!tpu.dma_semaphore, #tpu.memory_space<semaphore_mem>>
        %dma_start3A_204 = tpu.memref_slice %arg2[%add3A_118] : memref<327680xi32, #tpu.memory_space<hbm>> -> memref<128xi32, #tpu.memory_space<hbm>>
        %dma_start3A_205 = tpu.memref_slice %arg2[%add3A_118] : memref<327680xi32, #tpu.memory_space<hbm>> -> memref<128xi32, #tpu.memory_space<hbm>>
        tpu.enqueue_dma source(%dma_start3A_205 : memref<128xi32, #tpu.memory_space<hbm>>) target(%arg9 : memref<128xi32, #tpu.memory_space<vmem>>) target_semaphore(%run_scoped3A : memref<!tpu.dma_semaphore, #tpu.memory_space<semaphore_mem>>)
        %dma_wait3A_206 = tpu.memref_slice %arg2[%add3A_118] : memref<327680xi32, #tpu.memory_space<hbm>> -> memref<128xi32, #tpu.memory_space<hbm>>
        %dma_wait3A_207 = tpu.memref_slice %arg2[%add3A_118] : memref<327680xi32, #tpu.memory_space<hbm>> -> memref<128xi32, #tpu.memory_space<hbm>>
        tpu.wait_dma2 semaphore(%run_scoped3A : memref<!tpu.dma_semaphore, #tpu.memory_space<semaphore_mem>>) src(%dma_wait3A_207 : memref<128xi32, #tpu.memory_space<hbm>>) dst(%arg9 : memref<128xi32, #tpu.memory_space<vmem>>)
        tpu.yield
      }) : () -> ()
      "tpu.region"() ({
        %run_scoped3A = tpu.sem_alloc : memref<!tpu.dma_semaphore, #tpu.memory_space<semaphore_mem>>
        %dma_start3A_204 = tpu.memref_slice %arg3[%add3A_118] : memref<327680xi32, #tpu.memory_space<hbm>> -> memref<128xi32, #tpu.memory_space<hbm>>
        %dma_start3A_205 = tpu.memref_slice %arg3[%add3A_118] : memref<327680xi32, #tpu.memory_space<hbm>> -> memref<128xi32, #tpu.memory_space<hbm>>
        tpu.enqueue_dma source(%dma_start3A_205 : memref<128xi32, #tpu.memory_space<hbm>>) target(%arg11 : memref<128xi32, #tpu.memory_space<vmem>>) target_semaphore(%run_scoped3A : memref<!tpu.dma_semaphore, #tpu.memory_space<semaphore_mem>>)
        %dma_wait3A_206 = tpu.memref_slice %arg3[%add3A_118] : memref<327680xi32, #tpu.memory_space<hbm>> -> memref<128xi32, #tpu.memory_space<hbm>>
        %dma_wait3A_207 = tpu.memref_slice %arg3[%add3A_118] : memref<327680xi32, #tpu.memory_space<hbm>> -> memref<128xi32, #tpu.memory_space<hbm>>
        tpu.wait_dma2 semaphore(%run_scoped3A : memref<!tpu.dma_semaphore, #tpu.memory_space<semaphore_mem>>) src(%dma_wait3A_207 : memref<128xi32, #tpu.memory_space<hbm>>) dst(%arg11 : memref<128xi32, #tpu.memory_space<vmem>>)
        tpu.yield
      }) : () -> ()
      %dma_wait3A = arith.constant 0 : i32
      %dma_wait3A_119 = arith.constant 0 : i32
      %dma_wait3A_120 = tpu.memref_slice %arg4[%dma_wait3A, %dma_wait3A_119] : memref<10000x128xf32, #tpu.memory_space<hbm>> -> memref<10000x128xf32, #tpu.memory_space<hbm>>
      tpu.wait_indirect_dma semaphore(%arg16 : memref<!tpu.dma_semaphore, #tpu.memory_space<semaphore_mem>>) src(%dma_wait3A_120 : memref<10000x128xf32, #tpu.memory_space<hbm>>) dst(%arg12 : memref<128x128xf32, #tpu.memory_space<vmem>>)
      %dma_start3A_121 = arith.constant 0 : i32
      %dma_start3A_122 = arith.constant 0 : i32
      %dma_start3A_123 = tpu.memref_slice %arg4[%dma_start3A_121, %dma_start3A_122] : memref<10000x128xf32, #tpu.memory_space<hbm>> -> memref<10000x128xf32, #tpu.memory_space<hbm>>
      tpu.enqueue_indirect_dma source(%dma_start3A_123 : memref<10000x128xf32, #tpu.memory_space<hbm>>) target(%arg13 : memref<128x128xf32, #tpu.memory_space<vmem>>) offsets(%arg9 : memref<128xi32, #tpu.memory_space<vmem>>) semaphore(%arg17 : memref<!tpu.dma_semaphore, #tpu.memory_space<semaphore_mem>>)
      %mul3A_124 = arith.constant 2 : i32
      %mul3A_125 = arith.muli %scan3A_107, %mul3A_124 : i32
      %add3A_126 = arith.constant 1 : i32
      %add3A_127 = arith.addi %mul3A_125, %add3A_126 : i32
      "tpu.region"() ({
        %run_scoped3A = tpu.sem_alloc : memref<!tpu.dma_semaphore, #tpu.memory_space<semaphore_mem>>
        %dma_start3A_204 = arith.constant 0 : i32
        %dma_start3A_205 = arith.constant 0 : i32
        %dma_start3A_206 = tpu.memref_slice %arg15[%dma_start3A_204, %dma_start3A_205] : memref<10240x128xf32, #tpu.memory_space<vmem_shared>> -> memref<10240x128xf32, #tpu.memory_space<vmem_shared>>
        tpu.enqueue_indirect_dma source(%arg12 : memref<128x128xf32, #tpu.memory_space<vmem>>) target(%dma_start3A_206 : memref<10240x128xf32, #tpu.memory_space<vmem_shared>>) offsets(%arg10 : memref<128xi32, #tpu.memory_space<vmem>>) semaphore(%run_scoped3A : memref<!tpu.dma_semaphore, #tpu.memory_space<semaphore_mem>>) {add = true}
        %dma_wait3A_207 = arith.constant 0 : i32
        %dma_wait3A_208 = arith.constant 0 : i32
        %dma_wait3A_209 = tpu.memref_slice %arg15[%dma_wait3A_207, %dma_wait3A_208] : memref<10240x128xf32, #tpu.memory_space<vmem_shared>> -> memref<10240x128xf32, #tpu.memory_space<vmem_shared>>
        tpu.wait_indirect_dma semaphore(%run_scoped3A : memref<!tpu.dma_semaphore, #tpu.memory_space<semaphore_mem>>) src(%arg12 : memref<128x128xf32, #tpu.memory_space<vmem>>) dst(%dma_wait3A_209 : memref<10240x128xf32, #tpu.memory_space<vmem_shared>>)
        tpu.yield
      }) : () -> ()
      %get3A_128 = arith.constant 0 : index
      %get3A_129 = tpu.vector_load %arg10[%get3A_128] {strides = array<i32>} : memref<128xi32, #tpu.memory_space<vmem>>, vector<16xi32>,
      %shift_right_arithmetic3A_130 = arith.constant 7 : i32
      %shift_right_arithmetic3A_131 = vector.broadcast %shift_right_arithmetic3A_130 : i32 to vector<16xi32>
      %shift_right_arithmetic3A_132 = arith.shrsi %get3A_129, %shift_right_arithmetic3A_131 : vector<16xi32>
      %and3A_133 = arith.constant 127 : i32
      %and3A_134 = vector.broadcast %and3A_133 : i32 to vector<16xi32>
      %and3A_135 = arith.andi %get3A_129, %and3A_134 : vector<16xi32>
      tpu.vector_store_idx %arg14[%shift_right_arithmetic3A_132, %and3A_135], %broadcast_in_dim3A_13 {add = true} : memref<80x128xf32, #tpu.memory_space<vmem>>[vector<16xi32>, vector<16xi32>], vector<16xf32>,
      %get3A_136 = arith.constant 16 : index
      %get3A_137 = tpu.vector_load %arg10[%get3A_136] {strides = array<i32>} : memref<128xi32, #tpu.memory_space<vmem>>, vector<16xi32>,
      %shift_right_arithmetic3A_138 = arith.constant 7 : i32
      %shift_right_arithmetic3A_139 = vector.broadcast %shift_right_arithmetic3A_138 : i32 to vector<16xi32>
      %shift_right_arithmetic3A_140 = arith.shrsi %get3A_137, %shift_right_arithmetic3A_139 : vector<16xi32>
      %and3A_141 = arith.constant 127 : i32
      %and3A_142 = vector.broadcast %and3A_141 : i32 to vector<16xi32>
      %and3A_143 = arith.andi %get3A_137, %and3A_142 : vector<16xi32>
      tpu.vector_store_idx %arg14[%shift_right_arithmetic3A_140, %and3A_143], %broadcast_in_dim3A_13 {add = true} : memref<80x128xf32, #tpu.memory_space<vmem>>[vector<16xi32>, vector<16xi32>], vector<16xf32>,
      %get3A_144 = arith.constant 32 : index
      %get3A_145 = tpu.vector_load %arg10[%get3A_144] {strides = array<i32>} : memref<128xi32, #tpu.memory_space<vmem>>, vector<16xi32>,
      %shift_right_arithmetic3A_146 = arith.constant 7 : i32
      %shift_right_arithmetic3A_147 = vector.broadcast %shift_right_arithmetic3A_146 : i32 to vector<16xi32>
      %shift_right_arithmetic3A_148 = arith.shrsi %get3A_145, %shift_right_arithmetic3A_147 : vector<16xi32>
      %and3A_149 = arith.constant 127 : i32
      %and3A_150 = vector.broadcast %and3A_149 : i32 to vector<16xi32>
      %and3A_151 = arith.andi %get3A_145, %and3A_150 : vector<16xi32>
      tpu.vector_store_idx %arg14[%shift_right_arithmetic3A_148, %and3A_151], %broadcast_in_dim3A_13 {add = true} : memref<80x128xf32, #tpu.memory_space<vmem>>[vector<16xi32>, vector<16xi32>], vector<16xf32>,
      %get3A_152 = arith.constant 48 : index
      %get3A_153 = tpu.vector_load %arg10[%get3A_152] {strides = array<i32>} : memref<128xi32, #tpu.memory_space<vmem>>, vector<16xi32>,
      %shift_right_arithmetic3A_154 = arith.constant 7 : i32
      %shift_right_arithmetic3A_155 = vector.broadcast %shift_right_arithmetic3A_154 : i32 to vector<16xi32>
      %shift_right_arithmetic3A_156 = arith.shrsi %get3A_153, %shift_right_arithmetic3A_155 : vector<16xi32>
      %and3A_157 = arith.constant 127 : i32
      %and3A_158 = vector.broadcast %and3A_157 : i32 to vector<16xi32>
      %and3A_159 = arith.andi %get3A_153, %and3A_158 : vector<16xi32>
      tpu.vector_store_idx %arg14[%shift_right_arithmetic3A_156, %and3A_159], %broadcast_in_dim3A_13 {add = true} : memref<80x128xf32, #tpu.memory_space<vmem>>[vector<16xi32>, vector<16xi32>], vector<16xf32>,
      %get3A_160 = arith.constant 64 : index
      %get3A_161 = tpu.vector_load %arg10[%get3A_160] {strides = array<i32>} : memref<128xi32, #tpu.memory_space<vmem>>, vector<16xi32>,
      %shift_right_arithmetic3A_162 = arith.constant 7 : i32
      %shift_right_arithmetic3A_163 = vector.broadcast %shift_right_arithmetic3A_162 : i32 to vector<16xi32>
      %shift_right_arithmetic3A_164 = arith.shrsi %get3A_161, %shift_right_arithmetic3A_163 : vector<16xi32>
      %and3A_165 = arith.constant 127 : i32
      %and3A_166 = vector.broadcast %and3A_165 : i32 to vector<16xi32>
      %and3A_167 = arith.andi %get3A_161, %and3A_166 : vector<16xi32>
      tpu.vector_store_idx %arg14[%shift_right_arithmetic3A_164, %and3A_167], %broadcast_in_dim3A_13 {add = true} : memref<80x128xf32, #tpu.memory_space<vmem>>[vector<16xi32>, vector<16xi32>], vector<16xf32>,
      %get3A_168 = arith.constant 80 : index
      %get3A_169 = tpu.vector_load %arg10[%get3A_168] {strides = array<i32>} : memref<128xi32, #tpu.memory_space<vmem>>, vector<16xi32>,
      %shift_right_arithmetic3A_170 = arith.constant 7 : i32
      %shift_right_arithmetic3A_171 = vector.broadcast %shift_right_arithmetic3A_170 : i32 to vector<16xi32>
      %shift_right_arithmetic3A_172 = arith.shrsi %get3A_169, %shift_right_arithmetic3A_171 : vector<16xi32>
      %and3A_173 = arith.constant 127 : i32
      %and3A_174 = vector.broadcast %and3A_173 : i32 to vector<16xi32>
      %and3A_175 = arith.andi %get3A_169, %and3A_174 : vector<16xi32>
      tpu.vector_store_idx %arg14[%shift_right_arithmetic3A_172, %and3A_175], %broadcast_in_dim3A_13 {add = true} : memref<80x128xf32, #tpu.memory_space<vmem>>[vector<16xi32>, vector<16xi32>], vector<16xf32>,
      %get3A_176 = arith.constant 96 : index
      %get3A_177 = tpu.vector_load %arg10[%get3A_176] {strides = array<i32>} : memref<128xi32, #tpu.memory_space<vmem>>, vector<16xi32>,
      %shift_right_arithmetic3A_178 = arith.constant 7 : i32
      %shift_right_arithmetic3A_179 = vector.broadcast %shift_right_arithmetic3A_178 : i32 to vector<16xi32>
      %shift_right_arithmetic3A_180 = arith.shrsi %get3A_177, %shift_right_arithmetic3A_179 : vector<16xi32>
      %and3A_181 = arith.constant 127 : i32
      %and3A_182 = vector.broadcast %and3A_181 : i32 to vector<16xi32>
      %and3A_183 = arith.andi %get3A_177, %and3A_182 : vector<16xi32>
      tpu.vector_store_idx %arg14[%shift_right_arithmetic3A_180, %and3A_183], %broadcast_in_dim3A_13 {add = true} : memref<80x128xf32, #tpu.memory_space<vmem>>[vector<16xi32>, vector<16xi32>], vector<16xf32>,
      %get3A_184 = arith.constant 112 : index
      %get3A_185 = tpu.vector_load %arg10[%get3A_184] {strides = array<i32>} : memref<128xi32, #tpu.memory_space<vmem>>, vector<16xi32>,
      %shift_right_arithmetic3A_186 = arith.constant 7 : i32
      %shift_right_arithmetic3A_187 = vector.broadcast %shift_right_arithmetic3A_186 : i32 to vector<16xi32>
      %shift_right_arithmetic3A_188 = arith.shrsi %get3A_185, %shift_right_arithmetic3A_187 : vector<16xi32>
      %and3A_189 = arith.constant 127 : i32
      %and3A_190 = vector.broadcast %and3A_189 : i32 to vector<16xi32>
      %and3A_191 = arith.andi %get3A_185, %and3A_190 : vector<16xi32>
      tpu.vector_store_idx %arg14[%shift_right_arithmetic3A_188, %and3A_191], %broadcast_in_dim3A_13 {add = true} : memref<80x128xf32, #tpu.memory_space<vmem>>[vector<16xi32>, vector<16xi32>], vector<16xf32>,
      %lt3A = arith.constant 39 : i32
      %lt3A_192 = arith.cmpi slt, %scan3A_107, %lt3A : i32
      %convert_element_type3A_193 = arith.extui %lt3A_192 : i1 to i32
      %cond3A_194 = arith.constant 0 : i32
      %cond3A_195 = arith.cmpi ne, %convert_element_type3A_193, %cond3A_194 : i32
      scf.if %cond3A_195 {
        %add3A_204 = arith.constant 1 : i32
        %add3A_205 = arith.addi %add3A_127, %add3A_204 : i32
        %mul3A_206 = arith.constant 128 : i32
        %mul3A_207 = arith.muli %add3A_205, %mul3A_206 : i32
        %add3A_208 = arith.addi %mul3A_15, %mul3A_207 : i32
        "tpu.region"() ({
          %run_scoped3A = tpu.sem_alloc : memref<!tpu.dma_semaphore, #tpu.memory_space<semaphore_mem>>
          %dma_start3A_209 = tpu.memref_slice %arg2[%add3A_208] : memref<327680xi32, #tpu.memory_space<hbm>> -> memref<128xi32, #tpu.memory_space<hbm>>
          %dma_start3A_210 = tpu.memref_slice %arg2[%add3A_208] : memref<327680xi32, #tpu.memory_space<hbm>> -> memref<128xi32, #tpu.memory_space<hbm>>
          tpu.enqueue_dma source(%dma_start3A_210 : memref<128xi32, #tpu.memory_space<hbm>>) target(%arg8 : memref<128xi32, #tpu.memory_space<vmem>>) target_semaphore(%run_scoped3A : memref<!tpu.dma_semaphore, #tpu.memory_space<semaphore_mem>>)
          %dma_wait3A_211 = tpu.memref_slice %arg2[%add3A_208] : memref<327680xi32, #tpu.memory_space<hbm>> -> memref<128xi32, #tpu.memory_space<hbm>>
          %dma_wait3A_212 = tpu.memref_slice %arg2[%add3A_208] : memref<327680xi32, #tpu.memory_space<hbm>> -> memref<128xi32, #tpu.memory_space<hbm>>
          tpu.wait_dma2 semaphore(%run_scoped3A : memref<!tpu.dma_semaphore, #tpu.memory_space<semaphore_mem>>) src(%dma_wait3A_212 : memref<128xi32, #tpu.memory_space<hbm>>) dst(%arg8 : memref<128xi32, #tpu.memory_space<vmem>>)
          tpu.yield
        }) : () -> ()
        "tpu.region"() ({
          %run_scoped3A = tpu.sem_alloc : memref<!tpu.dma_semaphore, #tpu.memory_space<semaphore_mem>>
          %dma_start3A_209 = tpu.memref_slice %arg3[%add3A_208] : memref<327680xi32, #tpu.memory_space<hbm>> -> memref<128xi32, #tpu.memory_space<hbm>>
          %dma_start3A_210 = tpu.memref_slice %arg3[%add3A_208] : memref<327680xi32, #tpu.memory_space<hbm>> -> memref<128xi32, #tpu.memory_space<hbm>>
          tpu.enqueue_dma source(%dma_start3A_210 : memref<128xi32, #tpu.memory_space<hbm>>) target(%arg10 : memref<128xi32, #tpu.memory_space<vmem>>) target_semaphore(%run_scoped3A : memref<!tpu.dma_semaphore, #tpu.memory_space<semaphore_mem>>)
          %dma_wait3A_211 = tpu.memref_slice %arg3[%add3A_208] : memref<327680xi32, #tpu.memory_space<hbm>> -> memref<128xi32, #tpu.memory_space<hbm>>
          %dma_wait3A_212 = tpu.memref_slice %arg3[%add3A_208] : memref<327680xi32, #tpu.memory_space<hbm>> -> memref<128xi32, #tpu.memory_space<hbm>>
          tpu.wait_dma2 semaphore(%run_scoped3A : memref<!tpu.dma_semaphore, #tpu.memory_space<semaphore_mem>>) src(%dma_wait3A_212 : memref<128xi32, #tpu.memory_space<hbm>>) dst(%arg10 : memref<128xi32, #tpu.memory_space<vmem>>)
          tpu.yield
        }) : () -> ()
      } else {
      }
      %dma_wait3A_196 = arith.constant 0 : i32
      %dma_wait3A_197 = arith.constant 0 : i32
      %dma_wait3A_198 = tpu.memref_slice %arg4[%dma_wait3A_196, %dma_wait3A_197] : memref<10000x128xf32, #tpu.memory_space<hbm>> -> memref<10000x128xf32, #tpu.memory_space<hbm>>
      tpu.wait_indirect_dma semaphore(%arg17 : memref<!tpu.dma_semaphore, #tpu.memory_space<semaphore_mem>>) src(%dma_wait3A_198 : memref<10000x128xf32, #tpu.memory_space<hbm>>) dst(%arg13 : memref<128x128xf32, #tpu.memory_space<vmem>>)
      %lt3A_199 = arith.constant 39 : i32
      %lt3A_200 = arith.cmpi slt, %scan3A_107, %lt3A_199 : i32
      %convert_element_type3A_201 = arith.extui %lt3A_200 : i1 to i32
      %cond3A_202 = arith.constant 0 : i32
      %cond3A_203 = arith.cmpi ne, %convert_element_type3A_201, %cond3A_202 : i32
      scf.if %cond3A_203 {
        %dma_start3A_204 = arith.constant 0 : i32
        %dma_start3A_205 = arith.constant 0 : i32
        %dma_start3A_206 = tpu.memref_slice %arg4[%dma_start3A_204, %dma_start3A_205] : memref<10000x128xf32, #tpu.memory_space<hbm>> -> memref<10000x128xf32, #tpu.memory_space<hbm>>
        tpu.enqueue_indirect_dma source(%dma_start3A_206 : memref<10000x128xf32, #tpu.memory_space<hbm>>) target(%arg12 : memref<128x128xf32, #tpu.memory_space<vmem>>) offsets(%arg8 : memref<128xi32, #tpu.memory_space<vmem>>) semaphore(%arg16 : memref<!tpu.dma_semaphore, #tpu.memory_space<semaphore_mem>>)
      } else {
      }
    }
    %scan3A_24 = arith.constant 40 : i32
    "tpu.region"() ({
      %run_scoped3A = tpu.sem_alloc : memref<!tpu.dma_semaphore, #tpu.memory_space<semaphore_mem>>
      %dma_start3A_107 = arith.constant 0 : i32
      %dma_start3A_108 = arith.constant 0 : i32
      %dma_start3A_109 = tpu.memref_slice %arg15[%dma_start3A_107, %dma_start3A_108] : memref<10240x128xf32, #tpu.memory_space<vmem_shared>> -> memref<10240x128xf32, #tpu.memory_space<vmem_shared>>
      tpu.enqueue_indirect_dma source(%arg13 : memref<128x128xf32, #tpu.memory_space<vmem>>) target(%dma_start3A_109 : memref<10240x128xf32, #tpu.memory_space<vmem_shared>>) offsets(%arg11 : memref<128xi32, #tpu.memory_space<vmem>>) semaphore(%run_scoped3A : memref<!tpu.dma_semaphore, #tpu.memory_space<semaphore_mem>>) {add = true}
      %dma_wait3A = arith.constant 0 : i32
      %dma_wait3A_110 = arith.constant 0 : i32
      %dma_wait3A_111 = tpu.memref_slice %arg15[%dma_wait3A, %dma_wait3A_110] : memref<10240x128xf32, #tpu.memory_space<vmem_shared>> -> memref<10240x128xf32, #tpu.memory_space<vmem_shared>>
      tpu.wait_indirect_dma semaphore(%run_scoped3A : memref<!tpu.dma_semaphore, #tpu.memory_space<semaphore_mem>>) src(%arg13 : memref<128x128xf32, #tpu.memory_space<vmem>>) dst(%dma_wait3A_111 : memref<10240x128xf32, #tpu.memory_space<vmem_shared>>)
      tpu.yield
    }) : () -> ()
    %get3A = arith.constant 0 : index
    %get3A_25 = tpu.vector_load %arg11[%get3A] {strides = array<i32>} : memref<128xi32, #tpu.memory_space<vmem>>, vector<16xi32>,
    %shift_right_arithmetic3A = arith.constant 7 : i32
    %shift_right_arithmetic3A_26 = vector.broadcast %shift_right_arithmetic3A : i32 to vector<16xi32>
    %shift_right_arithmetic3A_27 = arith.shrsi %get3A_25, %shift_right_arithmetic3A_26 : vector<16xi32>
    %and3A = arith.constant 127 : i32
    %and3A_28 = vector.broadcast %and3A : i32 to vector<16xi32>
    %and3A_29 = arith.andi %get3A_25, %and3A_28 : vector<16xi32>
    tpu.vector_store_idx %arg14[%shift_right_arithmetic3A_27, %and3A_29], %broadcast_in_dim3A_13 {add = true} : memref<80x128xf32, #tpu.memory_space<vmem>>[vector<16xi32>, vector<16xi32>], vector<16xf32>,
    %get3A_30 = arith.constant 16 : index
    %get3A_31 = tpu.vector_load %arg11[%get3A_30] {strides = array<i32>} : memref<128xi32, #tpu.memory_space<vmem>>, vector<16xi32>,
    %shift_right_arithmetic3A_32 = arith.constant 7 : i32
    %shift_right_arithmetic3A_33 = vector.broadcast %shift_right_arithmetic3A_32 : i32 to vector<16xi32>
    %shift_right_arithmetic3A_34 = arith.shrsi %get3A_31, %shift_right_arithmetic3A_33 : vector<16xi32>
    %and3A_35 = arith.constant 127 : i32
    %and3A_36 = vector.broadcast %and3A_35 : i32 to vector<16xi32>
    %and3A_37 = arith.andi %get3A_31, %and3A_36 : vector<16xi32>
    tpu.vector_store_idx %arg14[%shift_right_arithmetic3A_34, %and3A_37], %broadcast_in_dim3A_13 {add = true} : memref<80x128xf32, #tpu.memory_space<vmem>>[vector<16xi32>, vector<16xi32>], vector<16xf32>,
    %get3A_38 = arith.constant 32 : index
    %get3A_39 = tpu.vector_load %arg11[%get3A_38] {strides = array<i32>} : memref<128xi32, #tpu.memory_space<vmem>>, vector<16xi32>,
    %shift_right_arithmetic3A_40 = arith.constant 7 : i32
    %shift_right_arithmetic3A_41 = vector.broadcast %shift_right_arithmetic3A_40 : i32 to vector<16xi32>
    %shift_right_arithmetic3A_42 = arith.shrsi %get3A_39, %shift_right_arithmetic3A_41 : vector<16xi32>
    %and3A_43 = arith.constant 127 : i32
    %and3A_44 = vector.broadcast %and3A_43 : i32 to vector<16xi32>
    %and3A_45 = arith.andi %get3A_39, %and3A_44 : vector<16xi32>
    tpu.vector_store_idx %arg14[%shift_right_arithmetic3A_42, %and3A_45], %broadcast_in_dim3A_13 {add = true} : memref<80x128xf32, #tpu.memory_space<vmem>>[vector<16xi32>, vector<16xi32>], vector<16xf32>,
    %get3A_46 = arith.constant 48 : index
    %get3A_47 = tpu.vector_load %arg11[%get3A_46] {strides = array<i32>} : memref<128xi32, #tpu.memory_space<vmem>>, vector<16xi32>,
    %shift_right_arithmetic3A_48 = arith.constant 7 : i32
    %shift_right_arithmetic3A_49 = vector.broadcast %shift_right_arithmetic3A_48 : i32 to vector<16xi32>
    %shift_right_arithmetic3A_50 = arith.shrsi %get3A_47, %shift_right_arithmetic3A_49 : vector<16xi32>
    %and3A_51 = arith.constant 127 : i32
    %and3A_52 = vector.broadcast %and3A_51 : i32 to vector<16xi32>
    %and3A_53 = arith.andi %get3A_47, %and3A_52 : vector<16xi32>
    tpu.vector_store_idx %arg14[%shift_right_arithmetic3A_50, %and3A_53], %broadcast_in_dim3A_13 {add = true} : memref<80x128xf32, #tpu.memory_space<vmem>>[vector<16xi32>, vector<16xi32>], vector<16xf32>,
    %get3A_54 = arith.constant 64 : index
    %get3A_55 = tpu.vector_load %arg11[%get3A_54] {strides = array<i32>} : memref<128xi32, #tpu.memory_space<vmem>>, vector<16xi32>,
    %shift_right_arithmetic3A_56 = arith.constant 7 : i32
    %shift_right_arithmetic3A_57 = vector.broadcast %shift_right_arithmetic3A_56 : i32 to vector<16xi32>
    %shift_right_arithmetic3A_58 = arith.shrsi %get3A_55, %shift_right_arithmetic3A_57 : vector<16xi32>
    %and3A_59 = arith.constant 127 : i32
    %and3A_60 = vector.broadcast %and3A_59 : i32 to vector<16xi32>
    %and3A_61 = arith.andi %get3A_55, %and3A_60 : vector<16xi32>
    tpu.vector_store_idx %arg14[%shift_right_arithmetic3A_58, %and3A_61], %broadcast_in_dim3A_13 {add = true} : memref<80x128xf32, #tpu.memory_space<vmem>>[vector<16xi32>, vector<16xi32>], vector<16xf32>,
    %get3A_62 = arith.constant 80 : index
    %get3A_63 = tpu.vector_load %arg11[%get3A_62] {strides = array<i32>} : memref<128xi32, #tpu.memory_space<vmem>>, vector<16xi32>,
    %shift_right_arithmetic3A_64 = arith.constant 7 : i32
    %shift_right_arithmetic3A_65 = vector.broadcast %shift_right_arithmetic3A_64 : i32 to vector<16xi32>
    %shift_right_arithmetic3A_66 = arith.shrsi %get3A_63, %shift_right_arithmetic3A_65 : vector<16xi32>
    %and3A_67 = arith.constant 127 : i32
    %and3A_68 = vector.broadcast %and3A_67 : i32 to vector<16xi32>
    %and3A_69 = arith.andi %get3A_63, %and3A_68 : vector<16xi32>
    tpu.vector_store_idx %arg14[%shift_right_arithmetic3A_66, %and3A_69], %broadcast_in_dim3A_13 {add = true} : memref<80x128xf32, #tpu.memory_space<vmem>>[vector<16xi32>, vector<16xi32>], vector<16xf32>,
    %get3A_70 = arith.constant 96 : index
    %get3A_71 = tpu.vector_load %arg11[%get3A_70] {strides = array<i32>} : memref<128xi32, #tpu.memory_space<vmem>>, vector<16xi32>,
    %shift_right_arithmetic3A_72 = arith.constant 7 : i32
    %shift_right_arithmetic3A_73 = vector.broadcast %shift_right_arithmetic3A_72 : i32 to vector<16xi32>
    %shift_right_arithmetic3A_74 = arith.shrsi %get3A_71, %shift_right_arithmetic3A_73 : vector<16xi32>
    %and3A_75 = arith.constant 127 : i32
    %and3A_76 = vector.broadcast %and3A_75 : i32 to vector<16xi32>
    %and3A_77 = arith.andi %get3A_71, %and3A_76 : vector<16xi32>
    tpu.vector_store_idx %arg14[%shift_right_arithmetic3A_74, %and3A_77], %broadcast_in_dim3A_13 {add = true} : memref<80x128xf32, #tpu.memory_space<vmem>>[vector<16xi32>, vector<16xi32>], vector<16xf32>,
    %get3A_78 = arith.constant 112 : index
    %get3A_79 = tpu.vector_load %arg11[%get3A_78] {strides = array<i32>} : memref<128xi32, #tpu.memory_space<vmem>>, vector<16xi32>,
    %shift_right_arithmetic3A_80 = arith.constant 7 : i32
    %shift_right_arithmetic3A_81 = vector.broadcast %shift_right_arithmetic3A_80 : i32 to vector<16xi32>
    %shift_right_arithmetic3A_82 = arith.shrsi %get3A_79, %shift_right_arithmetic3A_81 : vector<16xi32>
    %and3A_83 = arith.constant 127 : i32
    %and3A_84 = vector.broadcast %and3A_83 : i32 to vector<16xi32>
    %and3A_85 = arith.andi %get3A_79, %and3A_84 : vector<16xi32>
    tpu.vector_store_idx %arg14[%shift_right_arithmetic3A_82, %and3A_85], %broadcast_in_dim3A_13 {add = true} : memref<80x128xf32, #tpu.memory_space<vmem>>[vector<16xi32>, vector<16xi32>], vector<16xf32>,
    %barrier3A_86 = arith.constant 0 : index
    tpu.barrier barrier_id(%barrier3A_86)
    %add3A_87 = arith.constant 0 : i32
    %add3A_88 = arith.addi %mul3A_2, %add3A_87 : i32
    %add3A_89 = arith.constant 0 : i32
    %add3A_90 = arith.addi %mul3A_2, %add3A_89 : i32
    "tpu.region"() ({
      %run_scoped3A = tpu.sem_alloc : memref<!tpu.dma_semaphore, #tpu.memory_space<semaphore_mem>>
      %dma_start3A_107 = arith.constant 0 : i32
      %dma_start3A_108 = tpu.memref_slice %arg6[%arg0, %add3A_90, %dma_start3A_107] : memref<2x10240x128xf32, #tpu.memory_space<hbm>> -> memref<1x128x128xf32, #tpu.memory_space<hbm>>
      %dma_start3A_109 = tpu.memref_squeeze %dma_start3A_108 : memref<1x128x128xf32, #tpu.memory_space<hbm>> -> memref<128x128xf32, #tpu.memory_space<hbm>>
      %dma_start3A_110 = arith.constant 0 : i32
      %dma_start3A_111 = tpu.memref_slice %arg15[%add3A_88, %dma_start3A_110] : memref<10240x128xf32, #tpu.memory_space<vmem_shared>> -> memref<128x128xf32, #tpu.memory_space<vmem_shared>>
      tpu.enqueue_dma source(%dma_start3A_111 : memref<128x128xf32, #tpu.memory_space<vmem_shared>>) target(%dma_start3A_109 : memref<128x128xf32, #tpu.memory_space<hbm>>) target_semaphore(%run_scoped3A : memref<!tpu.dma_semaphore, #tpu.memory_space<semaphore_mem>>)
      %dma_wait3A = arith.constant 0 : i32
      %dma_wait3A_112 = tpu.memref_slice %arg6[%arg0, %add3A_90, %dma_wait3A] : memref<2x10240x128xf32, #tpu.memory_space<hbm>> -> memref<1x128x128xf32, #tpu.memory_space<hbm>>
      %dma_wait3A_113 = tpu.memref_squeeze %dma_wait3A_112 : memref<1x128x128xf32, #tpu.memory_space<hbm>> -> memref<128x128xf32, #tpu.memory_space<hbm>>
      %dma_wait3A_114 = arith.constant 0 : i32
      %dma_wait3A_115 = tpu.memref_slice %arg15[%add3A_88, %dma_wait3A_114] : memref<10240x128xf32, #tpu.memory_space<vmem_shared>> -> memref<128x128xf32, #tpu.memory_space<vmem_shared>>
      tpu.wait_dma2 semaphore(%run_scoped3A : memref<!tpu.dma_semaphore, #tpu.memory_space<semaphore_mem>>) src(%dma_wait3A_115 : memref<128x128xf32, #tpu.memory_space<vmem_shared>>) dst(%dma_wait3A_113 : memref<128x128xf32, #tpu.memory_space<hbm>>)
      tpu.yield
    }) : () -> ()
    %add3A_91 = arith.constant 128 : i32
    %add3A_92 = arith.addi %mul3A_2, %add3A_91 : i32
    %add3A_93 = arith.constant 128 : i32
    %add3A_94 = arith.addi %mul3A_2, %add3A_93 : i32
    "tpu.region"() ({
      %run_scoped3A = tpu.sem_alloc : memref<!tpu.dma_semaphore, #tpu.memory_space<semaphore_mem>>
      %dma_start3A_107 = arith.constant 0 : i32
      %dma_start3A_108 = tpu.memref_slice %arg6[%arg0, %add3A_94, %dma_start3A_107] : memref<2x10240x128xf32, #tpu.memory_space<hbm>> -> memref<1x128x128xf32, #tpu.memory_space<hbm>>
      %dma_start3A_109 = tpu.memref_squeeze %dma_start3A_108 : memref<1x128x128xf32, #tpu.memory_space<hbm>> -> memref<128x128xf32, #tpu.memory_space<hbm>>
      %dma_start3A_110 = arith.constant 0 : i32
      %dma_start3A_111 = tpu.memref_slice %arg15[%add3A_92, %dma_start3A_110] : memref<10240x128xf32, #tpu.memory_space<vmem_shared>> -> memref<128x128xf32, #tpu.memory_space<vmem_shared>>
      tpu.enqueue_dma source(%dma_start3A_111 : memref<128x128xf32, #tpu.memory_space<vmem_shared>>) target(%dma_start3A_109 : memref<128x128xf32, #tpu.memory_space<hbm>>) target_semaphore(%run_scoped3A : memref<!tpu.dma_semaphore, #tpu.memory_space<semaphore_mem>>)
      %dma_wait3A = arith.constant 0 : i32
      %dma_wait3A_112 = tpu.memref_slice %arg6[%arg0, %add3A_94, %dma_wait3A] : memref<2x10240x128xf32, #tpu.memory_space<hbm>> -> memref<1x128x128xf32, #tpu.memory_space<hbm>>
      %dma_wait3A_113 = tpu.memref_squeeze %dma_wait3A_112 : memref<1x128x128xf32, #tpu.memory_space<hbm>> -> memref<128x128xf32, #tpu.memory_space<hbm>>
      %dma_wait3A_114 = arith.constant 0 : i32
      %dma_wait3A_115 = tpu.memref_slice %arg15[%add3A_92, %dma_wait3A_114] : memref<10240x128xf32, #tpu.memory_space<vmem_shared>> -> memref<128x128xf32, #tpu.memory_space<vmem_shared>>
      tpu.wait_dma2 semaphore(%run_scoped3A : memref<!tpu.dma_semaphore, #tpu.memory_space<semaphore_mem>>) src(%dma_wait3A_115 : memref<128x128xf32, #tpu.memory_space<vmem_shared>>) dst(%dma_wait3A_113 : memref<128x128xf32, #tpu.memory_space<hbm>>)
      tpu.yield
    }) : () -> ()
    %add3A_95 = arith.constant 256 : i32
    %add3A_96 = arith.addi %mul3A_2, %add3A_95 : i32
    %add3A_97 = arith.constant 256 : i32
    %add3A_98 = arith.addi %mul3A_2, %add3A_97 : i32
    "tpu.region"() ({
      %run_scoped3A = tpu.sem_alloc : memref<!tpu.dma_semaphore, #tpu.memory_space<semaphore_mem>>
      %dma_start3A_107 = arith.constant 0 : i32
      %dma_start3A_108 = tpu.memref_slice %arg6[%arg0, %add3A_98, %dma_start3A_107] : memref<2x10240x128xf32, #tpu.memory_space<hbm>> -> memref<1x128x128xf32, #tpu.memory_space<hbm>>
      %dma_start3A_109 = tpu.memref_squeeze %dma_start3A_108 : memref<1x128x128xf32, #tpu.memory_space<hbm>> -> memref<128x128xf32, #tpu.memory_space<hbm>>
      %dma_start3A_110 = arith.constant 0 : i32
      %dma_start3A_111 = tpu.memref_slice %arg15[%add3A_96, %dma_start3A_110] : memref<10240x128xf32, #tpu.memory_space<vmem_shared>> -> memref<128x128xf32, #tpu.memory_space<vmem_shared>>
      tpu.enqueue_dma source(%dma_start3A_111 : memref<128x128xf32, #tpu.memory_space<vmem_shared>>) target(%dma_start3A_109 : memref<128x128xf32, #tpu.memory_space<hbm>>) target_semaphore(%run_scoped3A : memref<!tpu.dma_semaphore, #tpu.memory_space<semaphore_mem>>)
      %dma_wait3A = arith.constant 0 : i32
      %dma_wait3A_112 = tpu.memref_slice %arg6[%arg0, %add3A_98, %dma_wait3A] : memref<2x10240x128xf32, #tpu.memory_space<hbm>> -> memref<1x128x128xf32, #tpu.memory_space<hbm>>
      %dma_wait3A_113 = tpu.memref_squeeze %dma_wait3A_112 : memref<1x128x128xf32, #tpu.memory_space<hbm>> -> memref<128x128xf32, #tpu.memory_space<hbm>>
      %dma_wait3A_114 = arith.constant 0 : i32
      %dma_wait3A_115 = tpu.memref_slice %arg15[%add3A_96, %dma_wait3A_114] : memref<10240x128xf32, #tpu.memory_space<vmem_shared>> -> memref<128x128xf32, #tpu.memory_space<vmem_shared>>
      tpu.wait_dma2 semaphore(%run_scoped3A : memref<!tpu.dma_semaphore, #tpu.memory_space<semaphore_mem>>) src(%dma_wait3A_115 : memref<128x128xf32, #tpu.memory_space<vmem_shared>>) dst(%dma_wait3A_113 : memref<128x128xf32, #tpu.memory_space<hbm>>)
      tpu.yield
    }) : () -> ()
    %add3A_99 = arith.constant 384 : i32
    %add3A_100 = arith.addi %mul3A_2, %add3A_99 : i32
    %add3A_101 = arith.constant 384 : i32
    %add3A_102 = arith.addi %mul3A_2, %add3A_101 : i32
    "tpu.region"() ({
      %run_scoped3A = tpu.sem_alloc : memref<!tpu.dma_semaphore, #tpu.memory_space<semaphore_mem>>
      %dma_start3A_107 = arith.constant 0 : i32
      %dma_start3A_108 = tpu.memref_slice %arg6[%arg0, %add3A_102, %dma_start3A_107] : memref<2x10240x128xf32, #tpu.memory_space<hbm>> -> memref<1x128x128xf32, #tpu.memory_space<hbm>>
      %dma_start3A_109 = tpu.memref_squeeze %dma_start3A_108 : memref<1x128x128xf32, #tpu.memory_space<hbm>> -> memref<128x128xf32, #tpu.memory_space<hbm>>
      %dma_start3A_110 = arith.constant 0 : i32
      %dma_start3A_111 = tpu.memref_slice %arg15[%add3A_100, %dma_start3A_110] : memref<10240x128xf32, #tpu.memory_space<vmem_shared>> -> memref<128x128xf32, #tpu.memory_space<vmem_shared>>
      tpu.enqueue_dma source(%dma_start3A_111 : memref<128x128xf32, #tpu.memory_space<vmem_shared>>) target(%dma_start3A_109 : memref<128x128xf32, #tpu.memory_space<hbm>>) target_semaphore(%run_scoped3A : memref<!tpu.dma_semaphore, #tpu.memory_space<semaphore_mem>>)
      %dma_wait3A = arith.constant 0 : i32
      %dma_wait3A_112 = tpu.memref_slice %arg6[%arg0, %add3A_102, %dma_wait3A] : memref<2x10240x128xf32, #tpu.memory_space<hbm>> -> memref<1x128x128xf32, #tpu.memory_space<hbm>>
      %dma_wait3A_113 = tpu.memref_squeeze %dma_wait3A_112 : memref<1x128x128xf32, #tpu.memory_space<hbm>> -> memref<128x128xf32, #tpu.memory_space<hbm>>
      %dma_wait3A_114 = arith.constant 0 : i32
      %dma_wait3A_115 = tpu.memref_slice %arg15[%add3A_100, %dma_wait3A_114] : memref<10240x128xf32, #tpu.memory_space<vmem_shared>> -> memref<128x128xf32, #tpu.memory_space<vmem_shared>>
      tpu.wait_dma2 semaphore(%run_scoped3A : memref<!tpu.dma_semaphore, #tpu.memory_space<semaphore_mem>>) src(%dma_wait3A_115 : memref<128x128xf32, #tpu.memory_space<vmem_shared>>) dst(%dma_wait3A_113 : memref<128x128xf32, #tpu.memory_space<hbm>>)
      tpu.yield
    }) : () -> ()
    %add3A_103 = arith.constant 512 : i32
    %add3A_104 = arith.addi %mul3A_2, %add3A_103 : i32
    %add3A_105 = arith.constant 512 : i32
    %add3A_106 = arith.addi %mul3A_2, %add3A_105 : i32
    "tpu.region"() ({
      %run_scoped3A = tpu.sem_alloc : memref<!tpu.dma_semaphore, #tpu.memory_space<semaphore_mem>>
      %dma_start3A_107 = arith.constant 0 : i32
      %dma_start3A_108 = tpu.memref_slice %arg6[%arg0, %add3A_106, %dma_start3A_107] : memref<2x10240x128xf32, #tpu.memory_space<hbm>> -> memref<1x128x128xf32, #tpu.memory_space<hbm>>
      %dma_start3A_109 = tpu.memref_squeeze %dma_start3A_108 : memref<1x128x128xf32, #tpu.memory_space<hbm>> -> memref<128x128xf32, #tpu.memory_space<hbm>>
      %dma_start3A_110 = arith.constant 0 : i32
      %dma_start3A_111 = tpu.memref_slice %arg15[%add3A_104, %dma_start3A_110] : memref<10240x128xf32, #tpu.memory_space<vmem_shared>> -> memref<128x128xf32, #tpu.memory_space<vmem_shared>>
      tpu.enqueue_dma source(%dma_start3A_111 : memref<128x128xf32, #tpu.memory_space<vmem_shared>>) target(%dma_start3A_109 : memref<128x128xf32, #tpu.memory_space<hbm>>) target_semaphore(%run_scoped3A : memref<!tpu.dma_semaphore, #tpu.memory_space<semaphore_mem>>)
      %dma_wait3A = arith.constant 0 : i32
      %dma_wait3A_112 = tpu.memref_slice %arg6[%arg0, %add3A_106, %dma_wait3A] : memref<2x10240x128xf32, #tpu.memory_space<hbm>> -> memref<1x128x128xf32, #tpu.memory_space<hbm>>
      %dma_wait3A_113 = tpu.memref_squeeze %dma_wait3A_112 : memref<1x128x128xf32, #tpu.memory_space<hbm>> -> memref<128x128xf32, #tpu.memory_space<hbm>>
      %dma_wait3A_114 = arith.constant 0 : i32
      %dma_wait3A_115 = tpu.memref_slice %arg15[%add3A_104, %dma_wait3A_114] : memref<10240x128xf32, #tpu.memory_space<vmem_shared>> -> memref<128x128xf32, #tpu.memory_space<vmem_shared>>
      tpu.wait_dma2 semaphore(%run_scoped3A : memref<!tpu.dma_semaphore, #tpu.memory_space<semaphore_mem>>) src(%dma_wait3A_115 : memref<128x128xf32, #tpu.memory_space<vmem_shared>>) dst(%dma_wait3A_113 : memref<128x128xf32, #tpu.memory_space<hbm>>)
      tpu.yield
    }) : () -> ()
    "tpu.region"() ({
      %run_scoped3A = tpu.sem_alloc : memref<!tpu.dma_semaphore, #tpu.memory_space<semaphore_mem>>
      %dma_start3A_107 = arith.constant 0 : i32
      %dma_start3A_108 = arith.constant 0 : i32
      %dma_start3A_109 = tpu.memref_slice %arg7[%add3A, %dma_start3A_107, %dma_start3A_108] : memref<32x80x128xf32, #tpu.memory_space<hbm>> -> memref<1x80x128xf32, #tpu.memory_space<hbm>>
      %dma_start3A_110 = tpu.memref_squeeze %dma_start3A_109 : memref<1x80x128xf32, #tpu.memory_space<hbm>> -> memref<80x128xf32, #tpu.memory_space<hbm>>
      %dma_start3A_111 = arith.constant 0 : i32
      %dma_start3A_112 = arith.constant 0 : i32
      %dma_start3A_113 = tpu.memref_slice %arg7[%add3A, %dma_start3A_111, %dma_start3A_112] : memref<32x80x128xf32, #tpu.memory_space<hbm>> -> memref<1x80x128xf32, #tpu.memory_space<hbm>>
      %dma_start3A_114 = tpu.memref_squeeze %dma_start3A_113 : memref<1x80x128xf32, #tpu.memory_space<hbm>> -> memref<80x128xf32, #tpu.memory_space<hbm>>
      tpu.enqueue_dma source(%arg14 : memref<80x128xf32, #tpu.memory_space<vmem>>) target(%dma_start3A_114 : memref<80x128xf32, #tpu.memory_space<hbm>>) target_semaphore(%run_scoped3A : memref<!tpu.dma_semaphore, #tpu.memory_space<semaphore_mem>>)
      %dma_wait3A = arith.constant 0 : i32
      %dma_wait3A_115 = arith.constant 0 : i32
      %dma_wait3A_116 = tpu.memref_slice %arg7[%add3A, %dma_wait3A, %dma_wait3A_115] : memref<32x80x128xf32, #tpu.memory_space<hbm>> -> memref<1x80x128xf32, #tpu.memory_space<hbm>>
      %dma_wait3A_117 = tpu.memref_squeeze %dma_wait3A_116 : memref<1x80x128xf32, #tpu.memory_space<hbm>> -> memref<80x128xf32, #tpu.memory_space<hbm>>
      %dma_wait3A_118 = arith.constant 0 : i32
      %dma_wait3A_119 = arith.constant 0 : i32
      %dma_wait3A_120 = tpu.memref_slice %arg7[%add3A, %dma_wait3A_118, %dma_wait3A_119] : memref<32x80x128xf32, #tpu.memory_space<hbm>> -> memref<1x80x128xf32, #tpu.memory_space<hbm>>
      %dma_wait3A_121 = tpu.memref_squeeze %dma_wait3A_120 : memref<1x80x128xf32, #tpu.memory_space<hbm>> -> memref<80x128xf32, #tpu.memory_space<hbm>>
      tpu.wait_dma2 semaphore(%run_scoped3A : memref<!tpu.dma_semaphore, #tpu.memory_space<semaphore_mem>>) src(%arg14 : memref<80x128xf32, #tpu.memory_space<vmem>>) dst(%dma_wait3A_121 : memref<80x128xf32, #tpu.memory_space<hbm>>)
      tpu.yield
    }) : () -> ()
    return
  }
}

module attributes {stable_mosaic.version = 14 : i64} {
  func.func @_tc_body(%arg0: i32, %arg1: memref<2x1024x128xf32, #tpu.memory_space<vmem>>, %arg2: memref<32x8x128xf32, #tpu.memory_space<vmem>>, %arg3: memref<1024x1xi32, #tpu.memory_space<vmem>>, %arg4: memref<128x128xf32, #tpu.memory_space<vmem>>, %arg5: memref<128x1xf32, #tpu.memory_space<vmem>>, %arg6: memref<128x10xf32, #tpu.memory_space<vmem>>, %arg7: memref<1x10xf32, #tpu.memory_space<vmem>>, %arg8: memref<64x10xf32, #tpu.memory_space<vmem>>, %arg9: memref<128x64xf32, #tpu.memory_space<vmem>>, %arg10: memref<1x64xf32, #tpu.memory_space<vmem>>) attributes {dimension_semantics = [#tpu.dimension_semantics<arbitrary>], iteration_bounds = array<i64: 10>, scalar_prefetch = 0 : i64, scratch_operands = 2 : i64, tpu.core_type = #tpu.core_type<tc>, window_params = [{transform_indices = @transform_0, window_bounds = array<i64: 2, 1024, 128>}, {transform_indices = @transform_1, window_bounds = array<i64: 32, 8, 128>}, {transform_indices = @transform_2, window_bounds = array<i64: 1024, 1>}, {pipeline_mode = #tpu.pipeline_mode<synchronous>, transform_indices = @transform_3, window_bounds = array<i64: 128, 128>}, {pipeline_mode = #tpu.pipeline_mode<synchronous>, transform_indices = @transform_4, window_bounds = array<i64: 128, 1>}, {pipeline_mode = #tpu.pipeline_mode<synchronous>, transform_indices = @transform_5, window_bounds = array<i64: 128, 10>}, {pipeline_mode = #tpu.pipeline_mode<synchronous>, transform_indices = @transform_6, window_bounds = array<i64: 1, 10>}, {pipeline_mode = #tpu.pipeline_mode<synchronous>, transform_indices = @transform_7, window_bounds = array<i64: 64, 10>}]} {
    %eq3A = arith.constant 0 : i32
    %eq3A_0 = arith.cmpi eq, %arg0, %eq3A : i32
    %convert_element_type3A = arith.extui %eq3A_0 : i1 to i32
    %cond3A = arith.constant 0 : i32
    %cond3A_1 = arith.cmpi ne, %convert_element_type3A, %cond3A : i32
    scf.if %cond3A_1 {
      %broadcast_in_dim3A_554 = arith.constant 0.000000e+00 : f32
      %broadcast_in_dim3A_555 = vector.broadcast %broadcast_in_dim3A_554 : f32 to vector<128x64xf32>
      %swap3A_556 = arith.constant 0 : index
      %swap3A_557 = arith.constant 0 : index
      %swap3A_558 = vector.load %arg9[%swap3A_556, %swap3A_557] : memref<128x64xf32, #tpu.memory_space<vmem>>, vector<128x64xf32>
      tpu.vector_store %arg9[%swap3A_556, %swap3A_557], %broadcast_in_dim3A_555 {strides = array<i32>} : memref<128x64xf32, #tpu.memory_space<vmem>>, vector<128x64xf32>,
      %broadcast_in_dim3A_559 = arith.constant 0.000000e+00 : f32
      %broadcast_in_dim3A_560 = vector.broadcast %broadcast_in_dim3A_559 : f32 to vector<1x64xf32>
      %swap3A_561 = arith.constant 0 : index
      %swap3A_562 = arith.constant 0 : index
      %swap3A_563 = vector.load %arg10[%swap3A_561, %swap3A_562] : memref<1x64xf32, #tpu.memory_space<vmem>>, vector<1x64xf32>
      tpu.vector_store %arg10[%swap3A_561, %swap3A_562], %broadcast_in_dim3A_560 {strides = array<i32>} : memref<1x64xf32, #tpu.memory_space<vmem>>, vector<1x64xf32>,
    } else {
    }
    %get3A = arith.constant 0 : index
    %get3A_2 = arith.constant 0 : index
    %get3A_3 = arith.constant 0 : index
    %get3A_4 = vector.load %arg1[%get3A, %get3A_2, %get3A_3] : memref<2x1024x128xf32, #tpu.memory_space<vmem>>, vector<1x1024x128xf32>
    %get3A_5 = vector.shape_cast %get3A_4 : vector<1x1024x128xf32> to vector<1024x128xf32>
    %get3A_6 = arith.constant 1 : index
    %get3A_7 = arith.constant 0 : index
    %get3A_8 = arith.constant 0 : index
    %get3A_9 = vector.load %arg1[%get3A_6, %get3A_7, %get3A_8] : memref<2x1024x128xf32, #tpu.memory_space<vmem>>, vector<1x1024x128xf32>
    %get3A_10 = vector.shape_cast %get3A_9 : vector<1x1024x128xf32> to vector<1024x128xf32>
    %add3A = arith.addf %get3A_5, %get3A_10 : vector<1024x128xf32>
    %get3A_11 = arith.constant 0 : index
    %get3A_12 = arith.constant 0 : index
    %get3A_13 = arith.constant 0 : index
    %get3A_14 = vector.load %arg2[%get3A_11, %get3A_12, %get3A_13] : memref<32x8x128xf32, #tpu.memory_space<vmem>>, vector<1x8x128xf32>
    %get3A_15 = vector.shape_cast %get3A_14 : vector<1x8x128xf32> to vector<8x128xf32>
    %get3A_16 = arith.constant 1 : index
    %get3A_17 = arith.constant 0 : index
    %get3A_18 = arith.constant 0 : index
    %get3A_19 = vector.load %arg2[%get3A_16, %get3A_17, %get3A_18] : memref<32x8x128xf32, #tpu.memory_space<vmem>>, vector<1x8x128xf32>
    %get3A_20 = vector.shape_cast %get3A_19 : vector<1x8x128xf32> to vector<8x128xf32>
    %add3A_21 = arith.addf %get3A_15, %get3A_20 : vector<8x128xf32>
    %get3A_22 = arith.constant 2 : index
    %get3A_23 = arith.constant 0 : index
    %get3A_24 = arith.constant 0 : index
    %get3A_25 = vector.load %arg2[%get3A_22, %get3A_23, %get3A_24] : memref<32x8x128xf32, #tpu.memory_space<vmem>>, vector<1x8x128xf32>
    %get3A_26 = vector.shape_cast %get3A_25 : vector<1x8x128xf32> to vector<8x128xf32>
    %add3A_27 = arith.addf %add3A_21, %get3A_26 : vector<8x128xf32>
    %get3A_28 = arith.constant 3 : index
    %get3A_29 = arith.constant 0 : index
    %get3A_30 = arith.constant 0 : index
    %get3A_31 = vector.load %arg2[%get3A_28, %get3A_29, %get3A_30] : memref<32x8x128xf32, #tpu.memory_space<vmem>>, vector<1x8x128xf32>
    %get3A_32 = vector.shape_cast %get3A_31 : vector<1x8x128xf32> to vector<8x128xf32>
    %add3A_33 = arith.addf %add3A_27, %get3A_32 : vector<8x128xf32>
    %get3A_34 = arith.constant 4 : index
    %get3A_35 = arith.constant 0 : index
    %get3A_36 = arith.constant 0 : index
    %get3A_37 = vector.load %arg2[%get3A_34, %get3A_35, %get3A_36] : memref<32x8x128xf32, #tpu.memory_space<vmem>>, vector<1x8x128xf32>
    %get3A_38 = vector.shape_cast %get3A_37 : vector<1x8x128xf32> to vector<8x128xf32>
    %add3A_39 = arith.addf %add3A_33, %get3A_38 : vector<8x128xf32>
    %get3A_40 = arith.constant 5 : index
    %get3A_41 = arith.constant 0 : index
    %get3A_42 = arith.constant 0 : index
    %get3A_43 = vector.load %arg2[%get3A_40, %get3A_41, %get3A_42] : memref<32x8x128xf32, #tpu.memory_space<vmem>>, vector<1x8x128xf32>
    %get3A_44 = vector.shape_cast %get3A_43 : vector<1x8x128xf32> to vector<8x128xf32>
    %add3A_45 = arith.addf %add3A_39, %get3A_44 : vector<8x128xf32>
    %get3A_46 = arith.constant 6 : index
    %get3A_47 = arith.constant 0 : index
    %get3A_48 = arith.constant 0 : index
    %get3A_49 = vector.load %arg2[%get3A_46, %get3A_47, %get3A_48] : memref<32x8x128xf32, #tpu.memory_space<vmem>>, vector<1x8x128xf32>
    %get3A_50 = vector.shape_cast %get3A_49 : vector<1x8x128xf32> to vector<8x128xf32>
    %add3A_51 = arith.addf %add3A_45, %get3A_50 : vector<8x128xf32>
    %get3A_52 = arith.constant 7 : index
    %get3A_53 = arith.constant 0 : index
    %get3A_54 = arith.constant 0 : index
    %get3A_55 = vector.load %arg2[%get3A_52, %get3A_53, %get3A_54] : memref<32x8x128xf32, #tpu.memory_space<vmem>>, vector<1x8x128xf32>
    %get3A_56 = vector.shape_cast %get3A_55 : vector<1x8x128xf32> to vector<8x128xf32>
    %add3A_57 = arith.addf %add3A_51, %get3A_56 : vector<8x128xf32>
    %get3A_58 = arith.constant 8 : index
    %get3A_59 = arith.constant 0 : index
    %get3A_60 = arith.constant 0 : index
    %get3A_61 = vector.load %arg2[%get3A_58, %get3A_59, %get3A_60] : memref<32x8x128xf32, #tpu.memory_space<vmem>>, vector<1x8x128xf32>
    %get3A_62 = vector.shape_cast %get3A_61 : vector<1x8x128xf32> to vector<8x128xf32>
    %add3A_63 = arith.addf %add3A_57, %get3A_62 : vector<8x128xf32>
    %get3A_64 = arith.constant 9 : index
    %get3A_65 = arith.constant 0 : index
    %get3A_66 = arith.constant 0 : index
    %get3A_67 = vector.load %arg2[%get3A_64, %get3A_65, %get3A_66] : memref<32x8x128xf32, #tpu.memory_space<vmem>>, vector<1x8x128xf32>
    %get3A_68 = vector.shape_cast %get3A_67 : vector<1x8x128xf32> to vector<8x128xf32>
    %add3A_69 = arith.addf %add3A_63, %get3A_68 : vector<8x128xf32>
    %get3A_70 = arith.constant 10 : index
    %get3A_71 = arith.constant 0 : index
    %get3A_72 = arith.constant 0 : index
    %get3A_73 = vector.load %arg2[%get3A_70, %get3A_71, %get3A_72] : memref<32x8x128xf32, #tpu.memory_space<vmem>>, vector<1x8x128xf32>
    %get3A_74 = vector.shape_cast %get3A_73 : vector<1x8x128xf32> to vector<8x128xf32>
    %add3A_75 = arith.addf %add3A_69, %get3A_74 : vector<8x128xf32>
    %get3A_76 = arith.constant 11 : index
    %get3A_77 = arith.constant 0 : index
    %get3A_78 = arith.constant 0 : index
    %get3A_79 = vector.load %arg2[%get3A_76, %get3A_77, %get3A_78] : memref<32x8x128xf32, #tpu.memory_space<vmem>>, vector<1x8x128xf32>
    %get3A_80 = vector.shape_cast %get3A_79 : vector<1x8x128xf32> to vector<8x128xf32>
    %add3A_81 = arith.addf %add3A_75, %get3A_80 : vector<8x128xf32>
    %get3A_82 = arith.constant 12 : index
    %get3A_83 = arith.constant 0 : index
    %get3A_84 = arith.constant 0 : index
    %get3A_85 = vector.load %arg2[%get3A_82, %get3A_83, %get3A_84] : memref<32x8x128xf32, #tpu.memory_space<vmem>>, vector<1x8x128xf32>
    %get3A_86 = vector.shape_cast %get3A_85 : vector<1x8x128xf32> to vector<8x128xf32>
    %add3A_87 = arith.addf %add3A_81, %get3A_86 : vector<8x128xf32>
    %get3A_88 = arith.constant 13 : index
    %get3A_89 = arith.constant 0 : index
    %get3A_90 = arith.constant 0 : index
    %get3A_91 = vector.load %arg2[%get3A_88, %get3A_89, %get3A_90] : memref<32x8x128xf32, #tpu.memory_space<vmem>>, vector<1x8x128xf32>
    %get3A_92 = vector.shape_cast %get3A_91 : vector<1x8x128xf32> to vector<8x128xf32>
    %add3A_93 = arith.addf %add3A_87, %get3A_92 : vector<8x128xf32>
    %get3A_94 = arith.constant 14 : index
    %get3A_95 = arith.constant 0 : index
    %get3A_96 = arith.constant 0 : index
    %get3A_97 = vector.load %arg2[%get3A_94, %get3A_95, %get3A_96] : memref<32x8x128xf32, #tpu.memory_space<vmem>>, vector<1x8x128xf32>
    %get3A_98 = vector.shape_cast %get3A_97 : vector<1x8x128xf32> to vector<8x128xf32>
    %add3A_99 = arith.addf %add3A_93, %get3A_98 : vector<8x128xf32>
    %get3A_100 = arith.constant 15 : index
    %get3A_101 = arith.constant 0 : index
    %get3A_102 = arith.constant 0 : index
    %get3A_103 = vector.load %arg2[%get3A_100, %get3A_101, %get3A_102] : memref<32x8x128xf32, #tpu.memory_space<vmem>>, vector<1x8x128xf32>
    %get3A_104 = vector.shape_cast %get3A_103 : vector<1x8x128xf32> to vector<8x128xf32>
    %add3A_105 = arith.addf %add3A_99, %get3A_104 : vector<8x128xf32>
    %get3A_106 = arith.constant 16 : index
    %get3A_107 = arith.constant 0 : index
    %get3A_108 = arith.constant 0 : index
    %get3A_109 = vector.load %arg2[%get3A_106, %get3A_107, %get3A_108] : memref<32x8x128xf32, #tpu.memory_space<vmem>>, vector<1x8x128xf32>
    %get3A_110 = vector.shape_cast %get3A_109 : vector<1x8x128xf32> to vector<8x128xf32>
    %add3A_111 = arith.addf %add3A_105, %get3A_110 : vector<8x128xf32>
    %get3A_112 = arith.constant 17 : index
    %get3A_113 = arith.constant 0 : index
    %get3A_114 = arith.constant 0 : index
    %get3A_115 = vector.load %arg2[%get3A_112, %get3A_113, %get3A_114] : memref<32x8x128xf32, #tpu.memory_space<vmem>>, vector<1x8x128xf32>
    %get3A_116 = vector.shape_cast %get3A_115 : vector<1x8x128xf32> to vector<8x128xf32>
    %add3A_117 = arith.addf %add3A_111, %get3A_116 : vector<8x128xf32>
    %get3A_118 = arith.constant 18 : index
    %get3A_119 = arith.constant 0 : index
    %get3A_120 = arith.constant 0 : index
    %get3A_121 = vector.load %arg2[%get3A_118, %get3A_119, %get3A_120] : memref<32x8x128xf32, #tpu.memory_space<vmem>>, vector<1x8x128xf32>
    %get3A_122 = vector.shape_cast %get3A_121 : vector<1x8x128xf32> to vector<8x128xf32>
    %add3A_123 = arith.addf %add3A_117, %get3A_122 : vector<8x128xf32>
    %get3A_124 = arith.constant 19 : index
    %get3A_125 = arith.constant 0 : index
    %get3A_126 = arith.constant 0 : index
    %get3A_127 = vector.load %arg2[%get3A_124, %get3A_125, %get3A_126] : memref<32x8x128xf32, #tpu.memory_space<vmem>>, vector<1x8x128xf32>
    %get3A_128 = vector.shape_cast %get3A_127 : vector<1x8x128xf32> to vector<8x128xf32>
    %add3A_129 = arith.addf %add3A_123, %get3A_128 : vector<8x128xf32>
    %get3A_130 = arith.constant 20 : index
    %get3A_131 = arith.constant 0 : index
    %get3A_132 = arith.constant 0 : index
    %get3A_133 = vector.load %arg2[%get3A_130, %get3A_131, %get3A_132] : memref<32x8x128xf32, #tpu.memory_space<vmem>>, vector<1x8x128xf32>
    %get3A_134 = vector.shape_cast %get3A_133 : vector<1x8x128xf32> to vector<8x128xf32>
    %add3A_135 = arith.addf %add3A_129, %get3A_134 : vector<8x128xf32>
    %get3A_136 = arith.constant 21 : index
    %get3A_137 = arith.constant 0 : index
    %get3A_138 = arith.constant 0 : index
    %get3A_139 = vector.load %arg2[%get3A_136, %get3A_137, %get3A_138] : memref<32x8x128xf32, #tpu.memory_space<vmem>>, vector<1x8x128xf32>
    %get3A_140 = vector.shape_cast %get3A_139 : vector<1x8x128xf32> to vector<8x128xf32>
    %add3A_141 = arith.addf %add3A_135, %get3A_140 : vector<8x128xf32>
    %get3A_142 = arith.constant 22 : index
    %get3A_143 = arith.constant 0 : index
    %get3A_144 = arith.constant 0 : index
    %get3A_145 = vector.load %arg2[%get3A_142, %get3A_143, %get3A_144] : memref<32x8x128xf32, #tpu.memory_space<vmem>>, vector<1x8x128xf32>
    %get3A_146 = vector.shape_cast %get3A_145 : vector<1x8x128xf32> to vector<8x128xf32>
    %add3A_147 = arith.addf %add3A_141, %get3A_146 : vector<8x128xf32>
    %get3A_148 = arith.constant 23 : index
    %get3A_149 = arith.constant 0 : index
    %get3A_150 = arith.constant 0 : index
    %get3A_151 = vector.load %arg2[%get3A_148, %get3A_149, %get3A_150] : memref<32x8x128xf32, #tpu.memory_space<vmem>>, vector<1x8x128xf32>
    %get3A_152 = vector.shape_cast %get3A_151 : vector<1x8x128xf32> to vector<8x128xf32>
    %add3A_153 = arith.addf %add3A_147, %get3A_152 : vector<8x128xf32>
    %get3A_154 = arith.constant 24 : index
    %get3A_155 = arith.constant 0 : index
    %get3A_156 = arith.constant 0 : index
    %get3A_157 = vector.load %arg2[%get3A_154, %get3A_155, %get3A_156] : memref<32x8x128xf32, #tpu.memory_space<vmem>>, vector<1x8x128xf32>
    %get3A_158 = vector.shape_cast %get3A_157 : vector<1x8x128xf32> to vector<8x128xf32>
    %add3A_159 = arith.addf %add3A_153, %get3A_158 : vector<8x128xf32>
    %get3A_160 = arith.constant 25 : index
    %get3A_161 = arith.constant 0 : index
    %get3A_162 = arith.constant 0 : index
    %get3A_163 = vector.load %arg2[%get3A_160, %get3A_161, %get3A_162] : memref<32x8x128xf32, #tpu.memory_space<vmem>>, vector<1x8x128xf32>
    %get3A_164 = vector.shape_cast %get3A_163 : vector<1x8x128xf32> to vector<8x128xf32>
    %add3A_165 = arith.addf %add3A_159, %get3A_164 : vector<8x128xf32>
    %get3A_166 = arith.constant 26 : index
    %get3A_167 = arith.constant 0 : index
    %get3A_168 = arith.constant 0 : index
    %get3A_169 = vector.load %arg2[%get3A_166, %get3A_167, %get3A_168] : memref<32x8x128xf32, #tpu.memory_space<vmem>>, vector<1x8x128xf32>
    %get3A_170 = vector.shape_cast %get3A_169 : vector<1x8x128xf32> to vector<8x128xf32>
    %add3A_171 = arith.addf %add3A_165, %get3A_170 : vector<8x128xf32>
    %get3A_172 = arith.constant 27 : index
    %get3A_173 = arith.constant 0 : index
    %get3A_174 = arith.constant 0 : index
    %get3A_175 = vector.load %arg2[%get3A_172, %get3A_173, %get3A_174] : memref<32x8x128xf32, #tpu.memory_space<vmem>>, vector<1x8x128xf32>
    %get3A_176 = vector.shape_cast %get3A_175 : vector<1x8x128xf32> to vector<8x128xf32>
    %add3A_177 = arith.addf %add3A_171, %get3A_176 : vector<8x128xf32>
    %get3A_178 = arith.constant 28 : index
    %get3A_179 = arith.constant 0 : index
    %get3A_180 = arith.constant 0 : index
    %get3A_181 = vector.load %arg2[%get3A_178, %get3A_179, %get3A_180] : memref<32x8x128xf32, #tpu.memory_space<vmem>>, vector<1x8x128xf32>
    %get3A_182 = vector.shape_cast %get3A_181 : vector<1x8x128xf32> to vector<8x128xf32>
    %add3A_183 = arith.addf %add3A_177, %get3A_182 : vector<8x128xf32>
    %get3A_184 = arith.constant 29 : index
    %get3A_185 = arith.constant 0 : index
    %get3A_186 = arith.constant 0 : index
    %get3A_187 = vector.load %arg2[%get3A_184, %get3A_185, %get3A_186] : memref<32x8x128xf32, #tpu.memory_space<vmem>>, vector<1x8x128xf32>
    %get3A_188 = vector.shape_cast %get3A_187 : vector<1x8x128xf32> to vector<8x128xf32>
    %add3A_189 = arith.addf %add3A_183, %get3A_188 : vector<8x128xf32>
    %get3A_190 = arith.constant 30 : index
    %get3A_191 = arith.constant 0 : index
    %get3A_192 = arith.constant 0 : index
    %get3A_193 = vector.load %arg2[%get3A_190, %get3A_191, %get3A_192] : memref<32x8x128xf32, #tpu.memory_space<vmem>>, vector<1x8x128xf32>
    %get3A_194 = vector.shape_cast %get3A_193 : vector<1x8x128xf32> to vector<8x128xf32>
    %add3A_195 = arith.addf %add3A_189, %get3A_194 : vector<8x128xf32>
    %get3A_196 = arith.constant 31 : index
    %get3A_197 = arith.constant 0 : index
    %get3A_198 = arith.constant 0 : index
    %get3A_199 = vector.load %arg2[%get3A_196, %get3A_197, %get3A_198] : memref<32x8x128xf32, #tpu.memory_space<vmem>>, vector<1x8x128xf32>
    %get3A_200 = vector.shape_cast %get3A_199 : vector<1x8x128xf32> to vector<8x128xf32>
    %add3A_201 = arith.addf %add3A_195, %get3A_200 : vector<8x128xf32>
    %max3A = arith.constant 1.000000e+00 : f32
    %max3A_202 = vector.broadcast %max3A : f32 to vector<8x128xf32>
    %max3A_203 = arith.maximumf %add3A_201, %max3A_202 : vector<8x128xf32>
    %slice3A = vector.extract_strided_slice %add3A {offsets = [0, 0], sizes = [128, 128], strides = [1, 1]} : vector<1024x128xf32> to vector<128x128xf32>
    %get3A_204 = arith.constant 0 : index
    %get3A_205 = arith.constant 0 : index
    %get3A_206 = vector.load %arg4[%get3A_204, %get3A_205] : memref<128x128xf32, #tpu.memory_space<vmem>>, vector<128x128xf32>
    %dot_general3A = arith.constant dense<0.000000e+00> : vector<128x128xf32>
    %dot_general3A_207 = tpu.matmul %get3A_206, %slice3A, %dot_general3A {dimension_numbers = #tpu.dot_dimension_numbers<[0], [1], [1], [0], [0, 1, 1, 0], [], []>, transpose_lhs_hint = false} : vector<128x128xf32>, vector<128x128xf32>, vector<128x128xf32> -> vector<128x128xf32>
    %slice3A_208 = vector.extract_strided_slice %max3A_203 {offsets = [0, 0], sizes = [1, 128], strides = [1, 1]} : vector<8x128xf32> to vector<1x128xf32>
    %div3A = vector.broadcast %slice3A_208 : vector<1x128xf32> to vector<128x128xf32>
    %div3A_209 = arith.divf %dot_general3A_207, %div3A : vector<128x128xf32>
    %get3A_210 = arith.constant 0 : index
    %get3A_211 = arith.constant 0 : index
    %get3A_212 = vector.load %arg5[%get3A_210, %get3A_211] : memref<128x1xf32, #tpu.memory_space<vmem>>, vector<128x1xf32>
    %add3A_213 = vector.broadcast %get3A_212 : vector<128x1xf32> to vector<128x128xf32>
    %add3A_214 = arith.addf %div3A_209, %add3A_213 : vector<128x128xf32>
    %max3A_215 = arith.constant 0.000000e+00 : f32
    %max3A_216 = vector.broadcast %max3A_215 : f32 to vector<128x128xf32>
    %max3A_217 = arith.maximumf %add3A_214, %max3A_216 : vector<128x128xf32>
    %get3A_218 = arith.constant 0 : index
    %get3A_219 = arith.constant 0 : index
    %get3A_220 = vector.load %arg3[%get3A_218, %get3A_219] : memref<1024x1xi32, #tpu.memory_space<vmem>>, vector<128x1xi32>
    %iota3A = tpu.iota {dimensions = array<i32: 1>} : vector<128x64xi32>
    %eq3A_221 = vector.broadcast %get3A_220 : vector<128x1xi32> to vector<128x64xi32>
    %eq3A_222 = arith.cmpi eq, %eq3A_221, %iota3A : vector<128x64xi32>
    %convert_element_type3A_223 = arith.extui %eq3A_222 : vector<128x64xi1> to vector<128x64xi32>
    %convert_element_type3A_224 = arith.sitofp %convert_element_type3A_223 : vector<128x64xi32> to vector<128x64xf32>
    %get3A_225 = arith.constant 0 : index
    %get3A_226 = arith.constant 0 : index
    %get3A_227 = vector.load %arg9[%get3A_225, %get3A_226] : memref<128x64xf32, #tpu.memory_space<vmem>>, vector<128x64xf32>
    %dot_general3A_228 = arith.constant dense<0.000000e+00> : vector<128x64xf32>
    %dot_general3A_229 = tpu.matmul %max3A_217, %convert_element_type3A_224, %dot_general3A_228 {dimension_numbers = #tpu.dot_dimension_numbers<[1], [0], [0], [1], [0, 0, 1, 1], [], []>, transpose_lhs_hint = false} : vector<128x128xf32>, vector<128x64xf32>, vector<128x64xf32> -> vector<128x64xf32>
    %add3A_230 = arith.addf %get3A_227, %dot_general3A_229 : vector<128x64xf32>
    %swap3A = arith.constant 0 : index
    %swap3A_231 = arith.constant 0 : index
    %swap3A_232 = vector.load %arg9[%swap3A, %swap3A_231] : memref<128x64xf32, #tpu.memory_space<vmem>>, vector<128x64xf32>
    tpu.vector_store %arg9[%swap3A, %swap3A_231], %add3A_230 {strides = array<i32>} : memref<128x64xf32, #tpu.memory_space<vmem>>, vector<128x64xf32>,
    %get3A_233 = arith.constant 0 : index
    %get3A_234 = arith.constant 0 : index
    %get3A_235 = vector.load %arg10[%get3A_233, %get3A_234] : memref<1x64xf32, #tpu.memory_space<vmem>>, vector<1x64xf32>
    %reduce_sum3A = arith.constant dense<0.000000e+00> : vector<64xf32>
    %reduce_sum3A_236 = vector.multi_reduction <add>, %convert_element_type3A_224, %reduce_sum3A [0] : vector<128x64xf32> to vector<64xf32>
    %broadcast_in_dim3A = vector.shape_cast %reduce_sum3A_236 : vector<64xf32> to vector<1x64xf32>
    %add3A_237 = arith.addf %get3A_235, %broadcast_in_dim3A : vector<1x64xf32>
    %swap3A_238 = arith.constant 0 : index
    %swap3A_239 = arith.constant 0 : index
    %swap3A_240 = vector.load %arg10[%swap3A_238, %swap3A_239] : memref<1x64xf32, #tpu.memory_space<vmem>>, vector<1x64xf32>
    tpu.vector_store %arg10[%swap3A_238, %swap3A_239], %add3A_237 {strides = array<i32>} : memref<1x64xf32, #tpu.memory_space<vmem>>, vector<1x64xf32>,
    %slice3A_241 = vector.extract_strided_slice %add3A {offsets = [128, 0], sizes = [128, 128], strides = [1, 1]} : vector<1024x128xf32> to vector<128x128xf32>
    %get3A_242 = arith.constant 0 : index
    %get3A_243 = arith.constant 0 : index
    %get3A_244 = vector.load %arg4[%get3A_242, %get3A_243] : memref<128x128xf32, #tpu.memory_space<vmem>>, vector<128x128xf32>
    %dot_general3A_245 = arith.constant dense<0.000000e+00> : vector<128x128xf32>
    %dot_general3A_246 = tpu.matmul %get3A_244, %slice3A_241, %dot_general3A_245 {dimension_numbers = #tpu.dot_dimension_numbers<[0], [1], [1], [0], [0, 1, 1, 0], [], []>, transpose_lhs_hint = false} : vector<128x128xf32>, vector<128x128xf32>, vector<128x128xf32> -> vector<128x128xf32>
    %slice3A_247 = vector.extract_strided_slice %max3A_203 {offsets = [1, 0], sizes = [1, 128], strides = [1, 1]} : vector<8x128xf32> to vector<1x128xf32>
    %div3A_248 = vector.broadcast %slice3A_247 : vector<1x128xf32> to vector<128x128xf32>
    %div3A_249 = arith.divf %dot_general3A_246, %div3A_248 : vector<128x128xf32>
    %get3A_250 = arith.constant 0 : index
    %get3A_251 = arith.constant 0 : index
    %get3A_252 = vector.load %arg5[%get3A_250, %get3A_251] : memref<128x1xf32, #tpu.memory_space<vmem>>, vector<128x1xf32>
    %add3A_253 = vector.broadcast %get3A_252 : vector<128x1xf32> to vector<128x128xf32>
    %add3A_254 = arith.addf %div3A_249, %add3A_253 : vector<128x128xf32>
    %max3A_255 = arith.constant 0.000000e+00 : f32
    %max3A_256 = vector.broadcast %max3A_255 : f32 to vector<128x128xf32>
    %max3A_257 = arith.maximumf %add3A_254, %max3A_256 : vector<128x128xf32>
    %get3A_258 = arith.constant 128 : index
    %get3A_259 = arith.constant 0 : index
    %get3A_260 = vector.load %arg3[%get3A_258, %get3A_259] : memref<1024x1xi32, #tpu.memory_space<vmem>>, vector<128x1xi32>
    %iota3A_261 = tpu.iota {dimensions = array<i32: 1>} : vector<128x64xi32>
    %eq3A_262 = vector.broadcast %get3A_260 : vector<128x1xi32> to vector<128x64xi32>
    %eq3A_263 = arith.cmpi eq, %eq3A_262, %iota3A_261 : vector<128x64xi32>
    %convert_element_type3A_264 = arith.extui %eq3A_263 : vector<128x64xi1> to vector<128x64xi32>
    %convert_element_type3A_265 = arith.sitofp %convert_element_type3A_264 : vector<128x64xi32> to vector<128x64xf32>
    %get3A_266 = arith.constant 0 : index
    %get3A_267 = arith.constant 0 : index
    %get3A_268 = vector.load %arg9[%get3A_266, %get3A_267] : memref<128x64xf32, #tpu.memory_space<vmem>>, vector<128x64xf32>
    %dot_general3A_269 = arith.constant dense<0.000000e+00> : vector<128x64xf32>
    %dot_general3A_270 = tpu.matmul %max3A_257, %convert_element_type3A_265, %dot_general3A_269 {dimension_numbers = #tpu.dot_dimension_numbers<[1], [0], [0], [1], [0, 0, 1, 1], [], []>, transpose_lhs_hint = false} : vector<128x128xf32>, vector<128x64xf32>, vector<128x64xf32> -> vector<128x64xf32>
    %add3A_271 = arith.addf %get3A_268, %dot_general3A_270 : vector<128x64xf32>
    %swap3A_272 = arith.constant 0 : index
    %swap3A_273 = arith.constant 0 : index
    %swap3A_274 = vector.load %arg9[%swap3A_272, %swap3A_273] : memref<128x64xf32, #tpu.memory_space<vmem>>, vector<128x64xf32>
    tpu.vector_store %arg9[%swap3A_272, %swap3A_273], %add3A_271 {strides = array<i32>} : memref<128x64xf32, #tpu.memory_space<vmem>>, vector<128x64xf32>,
    %get3A_275 = arith.constant 0 : index
    %get3A_276 = arith.constant 0 : index
    %get3A_277 = vector.load %arg10[%get3A_275, %get3A_276] : memref<1x64xf32, #tpu.memory_space<vmem>>, vector<1x64xf32>
    %reduce_sum3A_278 = arith.constant dense<0.000000e+00> : vector<64xf32>
    %reduce_sum3A_279 = vector.multi_reduction <add>, %convert_element_type3A_265, %reduce_sum3A_278 [0] : vector<128x64xf32> to vector<64xf32>
    %broadcast_in_dim3A_280 = vector.shape_cast %reduce_sum3A_279 : vector<64xf32> to vector<1x64xf32>
    %add3A_281 = arith.addf %get3A_277, %broadcast_in_dim3A_280 : vector<1x64xf32>
    %swap3A_282 = arith.constant 0 : index
    %swap3A_283 = arith.constant 0 : index
    %swap3A_284 = vector.load %arg10[%swap3A_282, %swap3A_283] : memref<1x64xf32, #tpu.memory_space<vmem>>, vector<1x64xf32>
    tpu.vector_store %arg10[%swap3A_282, %swap3A_283], %add3A_281 {strides = array<i32>} : memref<1x64xf32, #tpu.memory_space<vmem>>, vector<1x64xf32>,
    %slice3A_285 = vector.extract_strided_slice %add3A {offsets = [256, 0], sizes = [128, 128], strides = [1, 1]} : vector<1024x128xf32> to vector<128x128xf32>
    %get3A_286 = arith.constant 0 : index
    %get3A_287 = arith.constant 0 : index
    %get3A_288 = vector.load %arg4[%get3A_286, %get3A_287] : memref<128x128xf32, #tpu.memory_space<vmem>>, vector<128x128xf32>
    %dot_general3A_289 = arith.constant dense<0.000000e+00> : vector<128x128xf32>
    %dot_general3A_290 = tpu.matmul %get3A_288, %slice3A_285, %dot_general3A_289 {dimension_numbers = #tpu.dot_dimension_numbers<[0], [1], [1], [0], [0, 1, 1, 0], [], []>, transpose_lhs_hint = false} : vector<128x128xf32>, vector<128x128xf32>, vector<128x128xf32> -> vector<128x128xf32>
    %slice3A_291 = vector.extract_strided_slice %max3A_203 {offsets = [2, 0], sizes = [1, 128], strides = [1, 1]} : vector<8x128xf32> to vector<1x128xf32>
    %div3A_292 = vector.broadcast %slice3A_291 : vector<1x128xf32> to vector<128x128xf32>
    %div3A_293 = arith.divf %dot_general3A_290, %div3A_292 : vector<128x128xf32>
    %get3A_294 = arith.constant 0 : index
    %get3A_295 = arith.constant 0 : index
    %get3A_296 = vector.load %arg5[%get3A_294, %get3A_295] : memref<128x1xf32, #tpu.memory_space<vmem>>, vector<128x1xf32>
    %add3A_297 = vector.broadcast %get3A_296 : vector<128x1xf32> to vector<128x128xf32>
    %add3A_298 = arith.addf %div3A_293, %add3A_297 : vector<128x128xf32>
    %max3A_299 = arith.constant 0.000000e+00 : f32
    %max3A_300 = vector.broadcast %max3A_299 : f32 to vector<128x128xf32>
    %max3A_301 = arith.maximumf %add3A_298, %max3A_300 : vector<128x128xf32>
    %get3A_302 = arith.constant 256 : index
    %get3A_303 = arith.constant 0 : index
    %get3A_304 = vector.load %arg3[%get3A_302, %get3A_303] : memref<1024x1xi32, #tpu.memory_space<vmem>>, vector<128x1xi32>
    %iota3A_305 = tpu.iota {dimensions = array<i32: 1>} : vector<128x64xi32>
    %eq3A_306 = vector.broadcast %get3A_304 : vector<128x1xi32> to vector<128x64xi32>
    %eq3A_307 = arith.cmpi eq, %eq3A_306, %iota3A_305 : vector<128x64xi32>
    %convert_element_type3A_308 = arith.extui %eq3A_307 : vector<128x64xi1> to vector<128x64xi32>
    %convert_element_type3A_309 = arith.sitofp %convert_element_type3A_308 : vector<128x64xi32> to vector<128x64xf32>
    %get3A_310 = arith.constant 0 : index
    %get3A_311 = arith.constant 0 : index
    %get3A_312 = vector.load %arg9[%get3A_310, %get3A_311] : memref<128x64xf32, #tpu.memory_space<vmem>>, vector<128x64xf32>
    %dot_general3A_313 = arith.constant dense<0.000000e+00> : vector<128x64xf32>
    %dot_general3A_314 = tpu.matmul %max3A_301, %convert_element_type3A_309, %dot_general3A_313 {dimension_numbers = #tpu.dot_dimension_numbers<[1], [0], [0], [1], [0, 0, 1, 1], [], []>, transpose_lhs_hint = false} : vector<128x128xf32>, vector<128x64xf32>, vector<128x64xf32> -> vector<128x64xf32>
    %add3A_315 = arith.addf %get3A_312, %dot_general3A_314 : vector<128x64xf32>
    %swap3A_316 = arith.constant 0 : index
    %swap3A_317 = arith.constant 0 : index
    %swap3A_318 = vector.load %arg9[%swap3A_316, %swap3A_317] : memref<128x64xf32, #tpu.memory_space<vmem>>, vector<128x64xf32>
    tpu.vector_store %arg9[%swap3A_316, %swap3A_317], %add3A_315 {strides = array<i32>} : memref<128x64xf32, #tpu.memory_space<vmem>>, vector<128x64xf32>,
    %get3A_319 = arith.constant 0 : index
    %get3A_320 = arith.constant 0 : index
    %get3A_321 = vector.load %arg10[%get3A_319, %get3A_320] : memref<1x64xf32, #tpu.memory_space<vmem>>, vector<1x64xf32>
    %reduce_sum3A_322 = arith.constant dense<0.000000e+00> : vector<64xf32>
    %reduce_sum3A_323 = vector.multi_reduction <add>, %convert_element_type3A_309, %reduce_sum3A_322 [0] : vector<128x64xf32> to vector<64xf32>
    %broadcast_in_dim3A_324 = vector.shape_cast %reduce_sum3A_323 : vector<64xf32> to vector<1x64xf32>
    %add3A_325 = arith.addf %get3A_321, %broadcast_in_dim3A_324 : vector<1x64xf32>
    %swap3A_326 = arith.constant 0 : index
    %swap3A_327 = arith.constant 0 : index
    %swap3A_328 = vector.load %arg10[%swap3A_326, %swap3A_327] : memref<1x64xf32, #tpu.memory_space<vmem>>, vector<1x64xf32>
    tpu.vector_store %arg10[%swap3A_326, %swap3A_327], %add3A_325 {strides = array<i32>} : memref<1x64xf32, #tpu.memory_space<vmem>>, vector<1x64xf32>,
    %slice3A_329 = vector.extract_strided_slice %add3A {offsets = [384, 0], sizes = [128, 128], strides = [1, 1]} : vector<1024x128xf32> to vector<128x128xf32>
    %get3A_330 = arith.constant 0 : index
    %get3A_331 = arith.constant 0 : index
    %get3A_332 = vector.load %arg4[%get3A_330, %get3A_331] : memref<128x128xf32, #tpu.memory_space<vmem>>, vector<128x128xf32>
    %dot_general3A_333 = arith.constant dense<0.000000e+00> : vector<128x128xf32>
    %dot_general3A_334 = tpu.matmul %get3A_332, %slice3A_329, %dot_general3A_333 {dimension_numbers = #tpu.dot_dimension_numbers<[0], [1], [1], [0], [0, 1, 1, 0], [], []>, transpose_lhs_hint = false} : vector<128x128xf32>, vector<128x128xf32>, vector<128x128xf32> -> vector<128x128xf32>
    %slice3A_335 = vector.extract_strided_slice %max3A_203 {offsets = [3, 0], sizes = [1, 128], strides = [1, 1]} : vector<8x128xf32> to vector<1x128xf32>
    %div3A_336 = vector.broadcast %slice3A_335 : vector<1x128xf32> to vector<128x128xf32>
    %div3A_337 = arith.divf %dot_general3A_334, %div3A_336 : vector<128x128xf32>
    %get3A_338 = arith.constant 0 : index
    %get3A_339 = arith.constant 0 : index
    %get3A_340 = vector.load %arg5[%get3A_338, %get3A_339] : memref<128x1xf32, #tpu.memory_space<vmem>>, vector<128x1xf32>
    %add3A_341 = vector.broadcast %get3A_340 : vector<128x1xf32> to vector<128x128xf32>
    %add3A_342 = arith.addf %div3A_337, %add3A_341 : vector<128x128xf32>
    %max3A_343 = arith.constant 0.000000e+00 : f32
    %max3A_344 = vector.broadcast %max3A_343 : f32 to vector<128x128xf32>
    %max3A_345 = arith.maximumf %add3A_342, %max3A_344 : vector<128x128xf32>
    %get3A_346 = arith.constant 384 : index
    %get3A_347 = arith.constant 0 : index
    %get3A_348 = vector.load %arg3[%get3A_346, %get3A_347] : memref<1024x1xi32, #tpu.memory_space<vmem>>, vector<128x1xi32>
    %iota3A_349 = tpu.iota {dimensions = array<i32: 1>} : vector<128x64xi32>
    %eq3A_350 = vector.broadcast %get3A_348 : vector<128x1xi32> to vector<128x64xi32>
    %eq3A_351 = arith.cmpi eq, %eq3A_350, %iota3A_349 : vector<128x64xi32>
    %convert_element_type3A_352 = arith.extui %eq3A_351 : vector<128x64xi1> to vector<128x64xi32>
    %convert_element_type3A_353 = arith.sitofp %convert_element_type3A_352 : vector<128x64xi32> to vector<128x64xf32>
    %get3A_354 = arith.constant 0 : index
    %get3A_355 = arith.constant 0 : index
    %get3A_356 = vector.load %arg9[%get3A_354, %get3A_355] : memref<128x64xf32, #tpu.memory_space<vmem>>, vector<128x64xf32>
    %dot_general3A_357 = arith.constant dense<0.000000e+00> : vector<128x64xf32>
    %dot_general3A_358 = tpu.matmul %max3A_345, %convert_element_type3A_353, %dot_general3A_357 {dimension_numbers = #tpu.dot_dimension_numbers<[1], [0], [0], [1], [0, 0, 1, 1], [], []>, transpose_lhs_hint = false} : vector<128x128xf32>, vector<128x64xf32>, vector<128x64xf32> -> vector<128x64xf32>
    %add3A_359 = arith.addf %get3A_356, %dot_general3A_358 : vector<128x64xf32>
    %swap3A_360 = arith.constant 0 : index
    %swap3A_361 = arith.constant 0 : index
    %swap3A_362 = vector.load %arg9[%swap3A_360, %swap3A_361] : memref<128x64xf32, #tpu.memory_space<vmem>>, vector<128x64xf32>
    tpu.vector_store %arg9[%swap3A_360, %swap3A_361], %add3A_359 {strides = array<i32>} : memref<128x64xf32, #tpu.memory_space<vmem>>, vector<128x64xf32>,
    %get3A_363 = arith.constant 0 : index
    %get3A_364 = arith.constant 0 : index
    %get3A_365 = vector.load %arg10[%get3A_363, %get3A_364] : memref<1x64xf32, #tpu.memory_space<vmem>>, vector<1x64xf32>
    %reduce_sum3A_366 = arith.constant dense<0.000000e+00> : vector<64xf32>
    %reduce_sum3A_367 = vector.multi_reduction <add>, %convert_element_type3A_353, %reduce_sum3A_366 [0] : vector<128x64xf32> to vector<64xf32>
    %broadcast_in_dim3A_368 = vector.shape_cast %reduce_sum3A_367 : vector<64xf32> to vector<1x64xf32>
    %add3A_369 = arith.addf %get3A_365, %broadcast_in_dim3A_368 : vector<1x64xf32>
    %swap3A_370 = arith.constant 0 : index
    %swap3A_371 = arith.constant 0 : index
    %swap3A_372 = vector.load %arg10[%swap3A_370, %swap3A_371] : memref<1x64xf32, #tpu.memory_space<vmem>>, vector<1x64xf32>
    tpu.vector_store %arg10[%swap3A_370, %swap3A_371], %add3A_369 {strides = array<i32>} : memref<1x64xf32, #tpu.memory_space<vmem>>, vector<1x64xf32>,
    %slice3A_373 = vector.extract_strided_slice %add3A {offsets = [512, 0], sizes = [128, 128], strides = [1, 1]} : vector<1024x128xf32> to vector<128x128xf32>
    %get3A_374 = arith.constant 0 : index
    %get3A_375 = arith.constant 0 : index
    %get3A_376 = vector.load %arg4[%get3A_374, %get3A_375] : memref<128x128xf32, #tpu.memory_space<vmem>>, vector<128x128xf32>
    %dot_general3A_377 = arith.constant dense<0.000000e+00> : vector<128x128xf32>
    %dot_general3A_378 = tpu.matmul %get3A_376, %slice3A_373, %dot_general3A_377 {dimension_numbers = #tpu.dot_dimension_numbers<[0], [1], [1], [0], [0, 1, 1, 0], [], []>, transpose_lhs_hint = false} : vector<128x128xf32>, vector<128x128xf32>, vector<128x128xf32> -> vector<128x128xf32>
    %slice3A_379 = vector.extract_strided_slice %max3A_203 {offsets = [4, 0], sizes = [1, 128], strides = [1, 1]} : vector<8x128xf32> to vector<1x128xf32>
    %div3A_380 = vector.broadcast %slice3A_379 : vector<1x128xf32> to vector<128x128xf32>
    %div3A_381 = arith.divf %dot_general3A_378, %div3A_380 : vector<128x128xf32>
    %get3A_382 = arith.constant 0 : index
    %get3A_383 = arith.constant 0 : index
    %get3A_384 = vector.load %arg5[%get3A_382, %get3A_383] : memref<128x1xf32, #tpu.memory_space<vmem>>, vector<128x1xf32>
    %add3A_385 = vector.broadcast %get3A_384 : vector<128x1xf32> to vector<128x128xf32>
    %add3A_386 = arith.addf %div3A_381, %add3A_385 : vector<128x128xf32>
    %max3A_387 = arith.constant 0.000000e+00 : f32
    %max3A_388 = vector.broadcast %max3A_387 : f32 to vector<128x128xf32>
    %max3A_389 = arith.maximumf %add3A_386, %max3A_388 : vector<128x128xf32>
    %get3A_390 = arith.constant 512 : index
    %get3A_391 = arith.constant 0 : index
    %get3A_392 = vector.load %arg3[%get3A_390, %get3A_391] : memref<1024x1xi32, #tpu.memory_space<vmem>>, vector<128x1xi32>
    %iota3A_393 = tpu.iota {dimensions = array<i32: 1>} : vector<128x64xi32>
    %eq3A_394 = vector.broadcast %get3A_392 : vector<128x1xi32> to vector<128x64xi32>
    %eq3A_395 = arith.cmpi eq, %eq3A_394, %iota3A_393 : vector<128x64xi32>
    %convert_element_type3A_396 = arith.extui %eq3A_395 : vector<128x64xi1> to vector<128x64xi32>
    %convert_element_type3A_397 = arith.sitofp %convert_element_type3A_396 : vector<128x64xi32> to vector<128x64xf32>
    %get3A_398 = arith.constant 0 : index
    %get3A_399 = arith.constant 0 : index
    %get3A_400 = vector.load %arg9[%get3A_398, %get3A_399] : memref<128x64xf32, #tpu.memory_space<vmem>>, vector<128x64xf32>
    %dot_general3A_401 = arith.constant dense<0.000000e+00> : vector<128x64xf32>
    %dot_general3A_402 = tpu.matmul %max3A_389, %convert_element_type3A_397, %dot_general3A_401 {dimension_numbers = #tpu.dot_dimension_numbers<[1], [0], [0], [1], [0, 0, 1, 1], [], []>, transpose_lhs_hint = false} : vector<128x128xf32>, vector<128x64xf32>, vector<128x64xf32> -> vector<128x64xf32>
    %add3A_403 = arith.addf %get3A_400, %dot_general3A_402 : vector<128x64xf32>
    %swap3A_404 = arith.constant 0 : index
    %swap3A_405 = arith.constant 0 : index
    %swap3A_406 = vector.load %arg9[%swap3A_404, %swap3A_405] : memref<128x64xf32, #tpu.memory_space<vmem>>, vector<128x64xf32>
    tpu.vector_store %arg9[%swap3A_404, %swap3A_405], %add3A_403 {strides = array<i32>} : memref<128x64xf32, #tpu.memory_space<vmem>>, vector<128x64xf32>,
    %get3A_407 = arith.constant 0 : index
    %get3A_408 = arith.constant 0 : index
    %get3A_409 = vector.load %arg10[%get3A_407, %get3A_408] : memref<1x64xf32, #tpu.memory_space<vmem>>, vector<1x64xf32>
    %reduce_sum3A_410 = arith.constant dense<0.000000e+00> : vector<64xf32>
    %reduce_sum3A_411 = vector.multi_reduction <add>, %convert_element_type3A_397, %reduce_sum3A_410 [0] : vector<128x64xf32> to vector<64xf32>
    %broadcast_in_dim3A_412 = vector.shape_cast %reduce_sum3A_411 : vector<64xf32> to vector<1x64xf32>
    %add3A_413 = arith.addf %get3A_409, %broadcast_in_dim3A_412 : vector<1x64xf32>
    %swap3A_414 = arith.constant 0 : index
    %swap3A_415 = arith.constant 0 : index
    %swap3A_416 = vector.load %arg10[%swap3A_414, %swap3A_415] : memref<1x64xf32, #tpu.memory_space<vmem>>, vector<1x64xf32>
    tpu.vector_store %arg10[%swap3A_414, %swap3A_415], %add3A_413 {strides = array<i32>} : memref<1x64xf32, #tpu.memory_space<vmem>>, vector<1x64xf32>,
    %slice3A_417 = vector.extract_strided_slice %add3A {offsets = [640, 0], sizes = [128, 128], strides = [1, 1]} : vector<1024x128xf32> to vector<128x128xf32>
    %get3A_418 = arith.constant 0 : index
    %get3A_419 = arith.constant 0 : index
    %get3A_420 = vector.load %arg4[%get3A_418, %get3A_419] : memref<128x128xf32, #tpu.memory_space<vmem>>, vector<128x128xf32>
    %dot_general3A_421 = arith.constant dense<0.000000e+00> : vector<128x128xf32>
    %dot_general3A_422 = tpu.matmul %get3A_420, %slice3A_417, %dot_general3A_421 {dimension_numbers = #tpu.dot_dimension_numbers<[0], [1], [1], [0], [0, 1, 1, 0], [], []>, transpose_lhs_hint = false} : vector<128x128xf32>, vector<128x128xf32>, vector<128x128xf32> -> vector<128x128xf32>
    %slice3A_423 = vector.extract_strided_slice %max3A_203 {offsets = [5, 0], sizes = [1, 128], strides = [1, 1]} : vector<8x128xf32> to vector<1x128xf32>
    %div3A_424 = vector.broadcast %slice3A_423 : vector<1x128xf32> to vector<128x128xf32>
    %div3A_425 = arith.divf %dot_general3A_422, %div3A_424 : vector<128x128xf32>
    %get3A_426 = arith.constant 0 : index
    %get3A_427 = arith.constant 0 : index
    %get3A_428 = vector.load %arg5[%get3A_426, %get3A_427] : memref<128x1xf32, #tpu.memory_space<vmem>>, vector<128x1xf32>
    %add3A_429 = vector.broadcast %get3A_428 : vector<128x1xf32> to vector<128x128xf32>
    %add3A_430 = arith.addf %div3A_425, %add3A_429 : vector<128x128xf32>
    %max3A_431 = arith.constant 0.000000e+00 : f32
    %max3A_432 = vector.broadcast %max3A_431 : f32 to vector<128x128xf32>
    %max3A_433 = arith.maximumf %add3A_430, %max3A_432 : vector<128x128xf32>
    %get3A_434 = arith.constant 640 : index
    %get3A_435 = arith.constant 0 : index
    %get3A_436 = vector.load %arg3[%get3A_434, %get3A_435] : memref<1024x1xi32, #tpu.memory_space<vmem>>, vector<128x1xi32>
    %iota3A_437 = tpu.iota {dimensions = array<i32: 1>} : vector<128x64xi32>
    %eq3A_438 = vector.broadcast %get3A_436 : vector<128x1xi32> to vector<128x64xi32>
    %eq3A_439 = arith.cmpi eq, %eq3A_438, %iota3A_437 : vector<128x64xi32>
    %convert_element_type3A_440 = arith.extui %eq3A_439 : vector<128x64xi1> to vector<128x64xi32>
    %convert_element_type3A_441 = arith.sitofp %convert_element_type3A_440 : vector<128x64xi32> to vector<128x64xf32>
    %get3A_442 = arith.constant 0 : index
    %get3A_443 = arith.constant 0 : index
    %get3A_444 = vector.load %arg9[%get3A_442, %get3A_443] : memref<128x64xf32, #tpu.memory_space<vmem>>, vector<128x64xf32>
    %dot_general3A_445 = arith.constant dense<0.000000e+00> : vector<128x64xf32>
    %dot_general3A_446 = tpu.matmul %max3A_433, %convert_element_type3A_441, %dot_general3A_445 {dimension_numbers = #tpu.dot_dimension_numbers<[1], [0], [0], [1], [0, 0, 1, 1], [], []>, transpose_lhs_hint = false} : vector<128x128xf32>, vector<128x64xf32>, vector<128x64xf32> -> vector<128x64xf32>
    %add3A_447 = arith.addf %get3A_444, %dot_general3A_446 : vector<128x64xf32>
    %swap3A_448 = arith.constant 0 : index
    %swap3A_449 = arith.constant 0 : index
    %swap3A_450 = vector.load %arg9[%swap3A_448, %swap3A_449] : memref<128x64xf32, #tpu.memory_space<vmem>>, vector<128x64xf32>
    tpu.vector_store %arg9[%swap3A_448, %swap3A_449], %add3A_447 {strides = array<i32>} : memref<128x64xf32, #tpu.memory_space<vmem>>, vector<128x64xf32>,
    %get3A_451 = arith.constant 0 : index
    %get3A_452 = arith.constant 0 : index
    %get3A_453 = vector.load %arg10[%get3A_451, %get3A_452] : memref<1x64xf32, #tpu.memory_space<vmem>>, vector<1x64xf32>
    %reduce_sum3A_454 = arith.constant dense<0.000000e+00> : vector<64xf32>
    %reduce_sum3A_455 = vector.multi_reduction <add>, %convert_element_type3A_441, %reduce_sum3A_454 [0] : vector<128x64xf32> to vector<64xf32>
    %broadcast_in_dim3A_456 = vector.shape_cast %reduce_sum3A_455 : vector<64xf32> to vector<1x64xf32>
    %add3A_457 = arith.addf %get3A_453, %broadcast_in_dim3A_456 : vector<1x64xf32>
    %swap3A_458 = arith.constant 0 : index
    %swap3A_459 = arith.constant 0 : index
    %swap3A_460 = vector.load %arg10[%swap3A_458, %swap3A_459] : memref<1x64xf32, #tpu.memory_space<vmem>>, vector<1x64xf32>
    tpu.vector_store %arg10[%swap3A_458, %swap3A_459], %add3A_457 {strides = array<i32>} : memref<1x64xf32, #tpu.memory_space<vmem>>, vector<1x64xf32>,
    %slice3A_461 = vector.extract_strided_slice %add3A {offsets = [768, 0], sizes = [128, 128], strides = [1, 1]} : vector<1024x128xf32> to vector<128x128xf32>
    %get3A_462 = arith.constant 0 : index
    %get3A_463 = arith.constant 0 : index
    %get3A_464 = vector.load %arg4[%get3A_462, %get3A_463] : memref<128x128xf32, #tpu.memory_space<vmem>>, vector<128x128xf32>
    %dot_general3A_465 = arith.constant dense<0.000000e+00> : vector<128x128xf32>
    %dot_general3A_466 = tpu.matmul %get3A_464, %slice3A_461, %dot_general3A_465 {dimension_numbers = #tpu.dot_dimension_numbers<[0], [1], [1], [0], [0, 1, 1, 0], [], []>, transpose_lhs_hint = false} : vector<128x128xf32>, vector<128x128xf32>, vector<128x128xf32> -> vector<128x128xf32>
    %slice3A_467 = vector.extract_strided_slice %max3A_203 {offsets = [6, 0], sizes = [1, 128], strides = [1, 1]} : vector<8x128xf32> to vector<1x128xf32>
    %div3A_468 = vector.broadcast %slice3A_467 : vector<1x128xf32> to vector<128x128xf32>
    %div3A_469 = arith.divf %dot_general3A_466, %div3A_468 : vector<128x128xf32>
    %get3A_470 = arith.constant 0 : index
    %get3A_471 = arith.constant 0 : index
    %get3A_472 = vector.load %arg5[%get3A_470, %get3A_471] : memref<128x1xf32, #tpu.memory_space<vmem>>, vector<128x1xf32>
    %add3A_473 = vector.broadcast %get3A_472 : vector<128x1xf32> to vector<128x128xf32>
    %add3A_474 = arith.addf %div3A_469, %add3A_473 : vector<128x128xf32>
    %max3A_475 = arith.constant 0.000000e+00 : f32
    %max3A_476 = vector.broadcast %max3A_475 : f32 to vector<128x128xf32>
    %max3A_477 = arith.maximumf %add3A_474, %max3A_476 : vector<128x128xf32>
    %get3A_478 = arith.constant 768 : index
    %get3A_479 = arith.constant 0 : index
    %get3A_480 = vector.load %arg3[%get3A_478, %get3A_479] : memref<1024x1xi32, #tpu.memory_space<vmem>>, vector<128x1xi32>
    %iota3A_481 = tpu.iota {dimensions = array<i32: 1>} : vector<128x64xi32>
    %eq3A_482 = vector.broadcast %get3A_480 : vector<128x1xi32> to vector<128x64xi32>
    %eq3A_483 = arith.cmpi eq, %eq3A_482, %iota3A_481 : vector<128x64xi32>
    %convert_element_type3A_484 = arith.extui %eq3A_483 : vector<128x64xi1> to vector<128x64xi32>
    %convert_element_type3A_485 = arith.sitofp %convert_element_type3A_484 : vector<128x64xi32> to vector<128x64xf32>
    %get3A_486 = arith.constant 0 : index
    %get3A_487 = arith.constant 0 : index
    %get3A_488 = vector.load %arg9[%get3A_486, %get3A_487] : memref<128x64xf32, #tpu.memory_space<vmem>>, vector<128x64xf32>
    %dot_general3A_489 = arith.constant dense<0.000000e+00> : vector<128x64xf32>
    %dot_general3A_490 = tpu.matmul %max3A_477, %convert_element_type3A_485, %dot_general3A_489 {dimension_numbers = #tpu.dot_dimension_numbers<[1], [0], [0], [1], [0, 0, 1, 1], [], []>, transpose_lhs_hint = false} : vector<128x128xf32>, vector<128x64xf32>, vector<128x64xf32> -> vector<128x64xf32>
    %add3A_491 = arith.addf %get3A_488, %dot_general3A_490 : vector<128x64xf32>
    %swap3A_492 = arith.constant 0 : index
    %swap3A_493 = arith.constant 0 : index
    %swap3A_494 = vector.load %arg9[%swap3A_492, %swap3A_493] : memref<128x64xf32, #tpu.memory_space<vmem>>, vector<128x64xf32>
    tpu.vector_store %arg9[%swap3A_492, %swap3A_493], %add3A_491 {strides = array<i32>} : memref<128x64xf32, #tpu.memory_space<vmem>>, vector<128x64xf32>,
    %get3A_495 = arith.constant 0 : index
    %get3A_496 = arith.constant 0 : index
    %get3A_497 = vector.load %arg10[%get3A_495, %get3A_496] : memref<1x64xf32, #tpu.memory_space<vmem>>, vector<1x64xf32>
    %reduce_sum3A_498 = arith.constant dense<0.000000e+00> : vector<64xf32>
    %reduce_sum3A_499 = vector.multi_reduction <add>, %convert_element_type3A_485, %reduce_sum3A_498 [0] : vector<128x64xf32> to vector<64xf32>
    %broadcast_in_dim3A_500 = vector.shape_cast %reduce_sum3A_499 : vector<64xf32> to vector<1x64xf32>
    %add3A_501 = arith.addf %get3A_497, %broadcast_in_dim3A_500 : vector<1x64xf32>
    %swap3A_502 = arith.constant 0 : index
    %swap3A_503 = arith.constant 0 : index
    %swap3A_504 = vector.load %arg10[%swap3A_502, %swap3A_503] : memref<1x64xf32, #tpu.memory_space<vmem>>, vector<1x64xf32>
    tpu.vector_store %arg10[%swap3A_502, %swap3A_503], %add3A_501 {strides = array<i32>} : memref<1x64xf32, #tpu.memory_space<vmem>>, vector<1x64xf32>,
    %slice3A_505 = vector.extract_strided_slice %add3A {offsets = [896, 0], sizes = [128, 128], strides = [1, 1]} : vector<1024x128xf32> to vector<128x128xf32>
    %get3A_506 = arith.constant 0 : index
    %get3A_507 = arith.constant 0 : index
    %get3A_508 = vector.load %arg4[%get3A_506, %get3A_507] : memref<128x128xf32, #tpu.memory_space<vmem>>, vector<128x128xf32>
    %dot_general3A_509 = arith.constant dense<0.000000e+00> : vector<128x128xf32>
    %dot_general3A_510 = tpu.matmul %get3A_508, %slice3A_505, %dot_general3A_509 {dimension_numbers = #tpu.dot_dimension_numbers<[0], [1], [1], [0], [0, 1, 1, 0], [], []>, transpose_lhs_hint = false} : vector<128x128xf32>, vector<128x128xf32>, vector<128x128xf32> -> vector<128x128xf32>
    %slice3A_511 = vector.extract_strided_slice %max3A_203 {offsets = [7, 0], sizes = [1, 128], strides = [1, 1]} : vector<8x128xf32> to vector<1x128xf32>
    %div3A_512 = vector.broadcast %slice3A_511 : vector<1x128xf32> to vector<128x128xf32>
    %div3A_513 = arith.divf %dot_general3A_510, %div3A_512 : vector<128x128xf32>
    %get3A_514 = arith.constant 0 : index
    %get3A_515 = arith.constant 0 : index
    %get3A_516 = vector.load %arg5[%get3A_514, %get3A_515] : memref<128x1xf32, #tpu.memory_space<vmem>>, vector<128x1xf32>
    %add3A_517 = vector.broadcast %get3A_516 : vector<128x1xf32> to vector<128x128xf32>
    %add3A_518 = arith.addf %div3A_513, %add3A_517 : vector<128x128xf32>
    %max3A_519 = arith.constant 0.000000e+00 : f32
    %max3A_520 = vector.broadcast %max3A_519 : f32 to vector<128x128xf32>
    %max3A_521 = arith.maximumf %add3A_518, %max3A_520 : vector<128x128xf32>
    %get3A_522 = arith.constant 896 : index
    %get3A_523 = arith.constant 0 : index
    %get3A_524 = vector.load %arg3[%get3A_522, %get3A_523] : memref<1024x1xi32, #tpu.memory_space<vmem>>, vector<128x1xi32>
    %iota3A_525 = tpu.iota {dimensions = array<i32: 1>} : vector<128x64xi32>
    %eq3A_526 = vector.broadcast %get3A_524 : vector<128x1xi32> to vector<128x64xi32>
    %eq3A_527 = arith.cmpi eq, %eq3A_526, %iota3A_525 : vector<128x64xi32>
    %convert_element_type3A_528 = arith.extui %eq3A_527 : vector<128x64xi1> to vector<128x64xi32>
    %convert_element_type3A_529 = arith.sitofp %convert_element_type3A_528 : vector<128x64xi32> to vector<128x64xf32>
    %get3A_530 = arith.constant 0 : index
    %get3A_531 = arith.constant 0 : index
    %get3A_532 = vector.load %arg9[%get3A_530, %get3A_531] : memref<128x64xf32, #tpu.memory_space<vmem>>, vector<128x64xf32>
    %dot_general3A_533 = arith.constant dense<0.000000e+00> : vector<128x64xf32>
    %dot_general3A_534 = tpu.matmul %max3A_521, %convert_element_type3A_529, %dot_general3A_533 {dimension_numbers = #tpu.dot_dimension_numbers<[1], [0], [0], [1], [0, 0, 1, 1], [], []>, transpose_lhs_hint = false} : vector<128x128xf32>, vector<128x64xf32>, vector<128x64xf32> -> vector<128x64xf32>
    %add3A_535 = arith.addf %get3A_532, %dot_general3A_534 : vector<128x64xf32>
    %swap3A_536 = arith.constant 0 : index
    %swap3A_537 = arith.constant 0 : index
    %swap3A_538 = vector.load %arg9[%swap3A_536, %swap3A_537] : memref<128x64xf32, #tpu.memory_space<vmem>>, vector<128x64xf32>
    tpu.vector_store %arg9[%swap3A_536, %swap3A_537], %add3A_535 {strides = array<i32>} : memref<128x64xf32, #tpu.memory_space<vmem>>, vector<128x64xf32>,
    %get3A_539 = arith.constant 0 : index
    %get3A_540 = arith.constant 0 : index
    %get3A_541 = vector.load %arg10[%get3A_539, %get3A_540] : memref<1x64xf32, #tpu.memory_space<vmem>>, vector<1x64xf32>
    %reduce_sum3A_542 = arith.constant dense<0.000000e+00> : vector<64xf32>
    %reduce_sum3A_543 = vector.multi_reduction <add>, %convert_element_type3A_529, %reduce_sum3A_542 [0] : vector<128x64xf32> to vector<64xf32>
    %broadcast_in_dim3A_544 = vector.shape_cast %reduce_sum3A_543 : vector<64xf32> to vector<1x64xf32>
    %add3A_545 = arith.addf %get3A_541, %broadcast_in_dim3A_544 : vector<1x64xf32>
    %swap3A_546 = arith.constant 0 : index
    %swap3A_547 = arith.constant 0 : index
    %swap3A_548 = vector.load %arg10[%swap3A_546, %swap3A_547] : memref<1x64xf32, #tpu.memory_space<vmem>>, vector<1x64xf32>
    tpu.vector_store %arg10[%swap3A_546, %swap3A_547], %add3A_545 {strides = array<i32>} : memref<1x64xf32, #tpu.memory_space<vmem>>, vector<1x64xf32>,
    %eq3A_549 = arith.constant 9 : i32
    %eq3A_550 = arith.cmpi eq, %arg0, %eq3A_549 : i32
    %convert_element_type3A_551 = arith.extui %eq3A_550 : i1 to i32
    %cond3A_552 = arith.constant 0 : i32
    %cond3A_553 = arith.cmpi ne, %convert_element_type3A_551, %cond3A_552 : i32
    scf.if %cond3A_553 {
      %get3A_554 = arith.constant 0 : index
      %get3A_555 = arith.constant 0 : index
      %get3A_556 = vector.load %arg9[%get3A_554, %get3A_555] : memref<128x64xf32, #tpu.memory_space<vmem>>, vector<128x64xf32>
      %get3A_557 = arith.constant 0 : index
      %get3A_558 = arith.constant 0 : index
      %get3A_559 = vector.load %arg10[%get3A_557, %get3A_558] : memref<1x64xf32, #tpu.memory_space<vmem>>, vector<1x64xf32>
      %max3A_560 = arith.constant 1.000000e+00 : f32
      %max3A_561 = vector.broadcast %max3A_560 : f32 to vector<1x64xf32>
      %max3A_562 = arith.maximumf %get3A_559, %max3A_561 : vector<1x64xf32>
      %div3A_563 = vector.broadcast %max3A_562 : vector<1x64xf32> to vector<128x64xf32>
      %div3A_564 = arith.divf %get3A_556, %div3A_563 : vector<128x64xf32>
      %get3A_565 = arith.constant 0 : index
      %get3A_566 = arith.constant 0 : index
      %get3A_567 = vector.load %arg6[%get3A_565, %get3A_566] : memref<128x10xf32, #tpu.memory_space<vmem>>, vector<128x10xf32>
      %dot_general3A_568 = arith.constant dense<0.000000e+00> : vector<64x10xf32>
      %dot_general3A_569 = tpu.matmul %div3A_564, %get3A_567, %dot_general3A_568 {dimension_numbers = #tpu.dot_dimension_numbers<[0], [0], [1], [1], [0, 1, 1, 1], [], []>, transpose_lhs_hint = false} : vector<128x64xf32>, vector<128x10xf32>, vector<64x10xf32> -> vector<64x10xf32>
      %get3A_570 = arith.constant 0 : index
      %get3A_571 = arith.constant 0 : index
      %get3A_572 = vector.load %arg7[%get3A_570, %get3A_571] : memref<1x10xf32, #tpu.memory_space<vmem>>, vector<1x10xf32>
      %add3A_573 = vector.broadcast %get3A_572 : vector<1x10xf32> to vector<64x10xf32>
      %add3A_574 = arith.addf %dot_general3A_569, %add3A_573 : vector<64x10xf32>
      %swap3A_575 = arith.constant 0 : index
      %swap3A_576 = arith.constant 0 : index
      %swap3A_577 = vector.load %arg8[%swap3A_575, %swap3A_576] : memref<64x10xf32, #tpu.memory_space<vmem>>, vector<64x10xf32>
      tpu.vector_store %arg8[%swap3A_575, %swap3A_576], %add3A_574 {strides = array<i32>} : memref<64x10xf32, #tpu.memory_space<vmem>>, vector<64x10xf32>,
    } else {
    }
    return
  }
  func.func @transform_0(%arg0: i32) -> (i32, i32, i32) {
    %c0_i32 = arith.constant 0 : i32
    %c0_i32_0 = arith.constant 0 : i32
    %c0_i32_1 = arith.constant 0 : i32
    return %c0_i32, %arg0, %c0_i32_0 : i32, i32, i32
  }
  func.func @transform_1(%arg0: i32) -> (i32, i32, i32) {
    %c0_i32 = arith.constant 0 : i32
    %c0_i32_0 = arith.constant 0 : i32
    %c0_i32_1 = arith.constant 0 : i32
    return %c0_i32, %arg0, %c0_i32_0 : i32, i32, i32
  }
  func.func @transform_2(%arg0: i32) -> (i32, i32) {
    %c0_i32 = arith.constant 0 : i32
    %c0_i32_0 = arith.constant 0 : i32
    return %arg0, %c0_i32 : i32, i32
  }
  func.func @transform_3(%arg0: i32) -> (i32, i32) {
    %c0_i32 = arith.constant 0 : i32
    %c0_i32_0 = arith.constant 0 : i32
    %c0_i32_1 = arith.constant 0 : i32
    return %c0_i32, %c0_i32_0 : i32, i32
  }
  func.func @transform_4(%arg0: i32) -> (i32, i32) {
    %c0_i32 = arith.constant 0 : i32
    %c0_i32_0 = arith.constant 0 : i32
    %c0_i32_1 = arith.constant 0 : i32
    return %c0_i32, %c0_i32_0 : i32, i32
  }
  func.func @transform_5(%arg0: i32) -> (i32, i32) {
    %c0_i32 = arith.constant 0 : i32
    %c0_i32_0 = arith.constant 0 : i32
    %c0_i32_1 = arith.constant 0 : i32
    return %c0_i32, %c0_i32_0 : i32, i32
  }
  func.func @transform_6(%arg0: i32) -> (i32, i32) {
    %c0_i32 = arith.constant 0 : i32
    %c0_i32_0 = arith.constant 0 : i32
    %c0_i32_1 = arith.constant 0 : i32
    return %c0_i32, %c0_i32_0 : i32, i32
  }
  func.func @transform_7(%arg0: i32) -> (i32, i32) {
    %c0_i32 = arith.constant 0 : i32
    %c0_i32_0 = arith.constant 0 : i32
    %c0_i32_1 = arith.constant 0 : i32
    return %c0_i32, %c0_i32_0 : i32, i32
  }
}

</mosaic_0001>

<sc_bundles>
// kernel: kernel.4.cloned.1.call-start
scs
__scs_entry_jumppad:
0x0: {  	(pc) =	sbr.rel $0x88, $3  }
0x1: {  	(tag) =	ssettag $0x0;
	lr =	simm.s32 $0x1  }
0x2: {  	[smem:$0x3F9A] =	sst lr;
	_ =	strace $0xD0000000  }
0x3: {  	_ = 	snop  }
0x4: {  	_ = 	snop  }
0x5: {  	_ = 	snop  }
0x6: {  	_ = 	snop  }
0x7: {  	_ = 	snop  }
__scs_overlays_trampoline_lowered:
0x8: {  	[smem:$0x3FA9] =	sst s0  }
0x9: {  	[smem:$0x3FAA] =	sst s1  }
0xa: {  	[smem:$0x3FAB] =	sst s2  }
0xb: {  	[smem:$0x3FAC] =	sst s3  }
0xc: {  	[smem:$0x3FAD] =	sst s4  }
0xd: {  	[smem:$0x3FAE] =	sst s5  }
0xe: {  	[smem:$0x3FAF] =	sst s6  }
0xf: {  	[smem:$0x3FB0] =	sst s7  }
0x10: {  	[smem:$0x3FB1] =	sst s8  }
0x11: {  	[smem:$0x3FB2] =	sst s9;
	s0 =	simm.s32 @!p0 $0x0  }
0x12: {  	s1 =	sld [smem:$0x3F98];
	s0 =	simm.s32 @p0 $0x1  }
0x13: {  	[smem:$0x3FB3] =	sst s0;
	s0 =	simm.s32 @!p1 $0x0  }
0x14: {  	s2 =	sld [smem:$0x3F97];
	s0 =	simm.s32 @p1 $0x1  }
0x15: {  	[smem:$0x3FB4] =	sst s0;
	s0 =	simm.s32 @!p2 $0x0  }
0x16: {  	s3 =	sld [smem:$0x3FDB];
	s0 =	simm.s32 @p2 $0x1  }
0x17: {  	s4 =	simm.s32 $0x1BF5;
	[smem:$0x3FB6] =	sst s0  }
0x18: {  	s0 =	sld [smem:$0x3F99];
	_ =	swait.ge [sflag:s4], $0x0  }
0x19: {  	s7 =	sld [smem:$0x3F9A]  }
0x1a: {  	s8 =	sadd.s32 $0xFFFFE003, lr  }
0x1b: {  	s9 =	sadd.s32 $0xFFFFFEF7, lr;
	s5 =	simm.s32 $0xFFFFFFFF;
	p2 =	slt.u32 s8, $0xFFFFF086  }
0x1c: {  	p1 =	slt.u32 s9, $0xF7A;
	s5 =	simm.s32 @!p2 $0x0  }
0x1d: {  	s5 =	simm.s32 @p1 $0x1;
	p0 =	seq.s32 s7, s2  }
0x1e: {  	s7 =	smul.u32 @!p0 $0xF7A, s2;
	p2 =	seq.s32 @!p0 s5, $0x0  }
0x1f: {  	s9 =	smul.u32 $0xF7A, s1;
	s8 =	simm.s32 @!p0 $0x1BF5;
	p2 =	por !p2, p0  }
0x20: {  	[sflag:s8] =	ssyncset.s32 @!p0 $0xFFFFF086;
	s6 =	sadd.s32 @!p0 s3, s7;
	s7 =	simm.s32 @!p0 $0x108  }
0x21: {  	s3 =	sadd.s32 s3, s9;
	s6 =	sadd.s32 @!p0 $0x88, s6;
	s7 =	simm.s32 @p2 $0x1082  }
0x22: {  	[simem:s7], [sflag:s8] =	dma.local @!p0 [hbm:s6], $0xF7A  }
0x23: {  	s9 =	sor.u32 $0xD0000000, s2;
	s6 =	simm.s32 $0x108;
	_ =	swait.ge @!p0 [sflag:s8], $0x0  }
0x24: {  	s3 =	sadd.s32 $0x88, s3;
	s6 =	simm.s32 @!p1 $0x1082;
	[sflag:s4] =	ssyncset.s32 $0xFFFFF086  }
0x25: {  	[simem:s6], [sflag:s4] =	dma.local [hbm:s3], $0xF7A  }
0x26: {  	[smem:$0x3F9A] =	sst s1;
	(tag) =	ssettag s2;
	_ =	strace s9  }
0x27: {  	s1 =	sld [smem:$0x3FAA]  }
0x28: {  	s2 =	sld [smem:$0x3FAB]  }
0x29: {  	s4 =	sld [smem:$0x3FAD]  }
0x2a: {  	p0 =	seq.s32 s5, $0x0;
	s5 =	sld [smem:$0x3FAE]  }
0x2b: {  	s6 =	sld [smem:$0x3FAF]  }
0x2c: {  	s7 =	sld [smem:$0x3FB0]  }
0x2d: {  	s3 =	simm.s32 $0x108;
	s8 =	sld [smem:$0x3FB1]  }
0x2e: {  	s3 =	simm.s32 @!p0 $0x1082;
	s9 =	sld [smem:$0x3FB2]  }
0x2f: {  	lr =	sadd.s32 s0, s3;
	s0 =	sld [smem:$0x3FA9]  }
0x30: {  	s3 =	sld [smem:$0x3FAC]  }
0x31: {  	[smem:$0x3FB5] =	sst s10  }
0x32: {  	s10 =	sld [smem:$0x3FB3];
	_ =	sdelay $0x3  }
0x33: {  	p0 =	seq.s32 s10, $0x1;
	s10 =	sld [smem:$0x3FB5];
	_ =	sdelay $0x3  }
0x34: {  	[smem:$0x3FB5] =	sst s10  }
0x35: {  	s10 =	sld [smem:$0x3FB4];
	_ =	sdelay $0x3  }
0x36: {  	p1 =	seq.s32 s10, $0x1;
	s10 =	sld [smem:$0x3FB5];
	_ =	sdelay $0x3  }
0x37: {  	[smem:$0x3FB5] =	sst s10  }
0x38: {  	s10 =	sld [smem:$0x3FB6]  }
0x39: {  	_ = 	snop;
	(pc) =	sbr.ind lr, $3  }
0x3a: {  	_ = 	snop  }
0x3b: {  	_ = 	snop  }
0x3c: {  	p2 =	seq.s32 s10, $0x1;
	s10 =	sld [smem:$0x3FB5]  }
0x3d: {  	_ =	shalt  }
0x3e: {  	_ =	shalt  }
0x3f: {  	_ =	shalt  }
0x40: {  	_ =	shalt  }
0x41: {  	_ =	shalt  }
0x42: {  	_ =	shalt  }
0x43: {  	_ =	shalt  }
0x44: {  	_ =	shalt  }
0x45: {  	_ =	shalt  }
0x46: {  	_ =	shalt  }
0x47: {  	_ =	shalt  }
0x48: {  	_ =	shalt  }
0x49: {  	_ =	shalt  }
0x4a: {  	_ =	shalt  }
0x4b: {  	_ =	shalt  }
0x4c: {  	_ =	shalt  }
0x4d: {  	_ =	shalt  }
0x4e: {  	_ =	shalt  }
0x4f: {  	_ =	shalt  }
0x50: {  	_ =	shalt  }
0x51: {  	_ =	shalt  }
0x52: {  	_ =	shalt  }
0x53: {  	_ =	shalt  }
0x54: {  	_ =	shalt  }
0x55: {  	_ =	shalt  }
0x56: {  	_ =	shalt  }
0x57: {  	_ =	shalt  }
0x58: {  	_ =	shalt  }
0x59: {  	_ =	shalt  }
0x5a: {  	_ =	shalt  }
0x5b: {  	_ =	shalt  }
0x5c: {  	_ =	shalt  }
0x5d: {  	_ =	shalt  }
0x5e: {  	_ =	shalt  }
0x5f: {  	_ =	shalt  }
0x60: {  	_ =	shalt  }
0x61: {  	_ =	shalt  }
0x62: {  	_ =	shalt  }
0x63: {  	_ =	shalt  }
0x64: {  	_ =	shalt  }
0x65: {  	_ =	shalt  }
0x66: {  	_ =	shalt  }
0x67: {  	_ =	shalt  }
0x68: {  	_ =	shalt  }
0x69: {  	_ =	shalt  }
0x6a: {  	_ =	shalt  }
0x6b: {  	_ =	shalt  }
0x6c: {  	_ =	shalt  }
0x6d: {  	_ =	shalt  }
0x6e: {  	_ =	shalt  }
0x6f: {  	_ =	shalt  }
0x70: {  	_ =	shalt  }
0x71: {  	_ =	shalt  }
0x72: {  	_ =	shalt  }
0x73: {  	_ =	shalt  }
0x74: {  	_ =	shalt  }
0x75: {  	_ =	shalt  }
0x76: {  	_ =	shalt  }
0x77: {  	_ =	shalt  }
0x78: {  	_ =	shalt  }
0x79: {  	_ =	shalt  }
0x7a: {  	_ =	shalt  }
0x7b: {  	_ =	shalt  }
0x7c: {  	_ =	shalt  }
0x7d: {  	_ =	shalt  }
0x7e: {  	_ =	shalt  }
0x7f: {  	_ =	shalt  }
0x80: {  	_ =	shalt  }
0x81: {  	_ =	shalt  }
0x82: {  	_ =	shalt  }
0x83: {  	_ =	shalt  }
0x84: {  	_ =	shalt  }
0x85: {  	_ =	shalt  }
0x86: {  	_ =	shalt  }
0x87: {  	_ =	shalt  }
.Lfunc_end0:
.L_simem_size_0:
called_computation_lowered:
.L_overlay_start_0:
0x88: {  	s2 =	sld [smem:$0x3FD9]  }
0x89: {  	s3 =	sld [smem:$0x3FFE];
	_ =	sdelay $0x1  }
0x8a: {  	s1 =	srdreg.scid  }
0x8b: {  	s0 =	sand.u32 $0x1, s1  }
0x8c: {  	s17 =	sshll.u32 s0, $0xA;
	s2 =	sadd.s32 s3, s2  }
0x8d: {  	s2 =	sadd.s32 s2, s17  }
0x8e: {  	[smem:$0x3FC1] =	sst s2  }
0x8f: {  	_ = 	snop  }
0x90: {  	s2 =	sld [smem:$0x3FC9];
	(tm) =	ssettm $0x1  }
0x91: {  	s18 =	sld [smem:$0x3FFB];
	_ =	sdelay $0x3  }
0x92: {  	_ =	strace s18  }
0x93: {  	s3 =	sld [smem:$0x3FFC];
	_ =	sdelay $0x3  }
0x94: {  	_ =	strace s3  }
0x95: {  	s3 =	sld [smem:$0x3FFD];
	_ =	sdelay $0x3  }
0x96: {  	_ =	strace s3  }
0x97: {  	_ =	strace $0x8FFFFFFF  }
0x98: {  	s19 =	sld [smem:$0x3FDB];
	_ =	sdelay $0x1  }
0x99: {  	s4 =	simm.s32 $_scs_section_size  }
0x9a: {  	s5 =	simm.s32 $_size__tile_overlayer_lowered;
	s6 =	simm.s32 $_tile_overlayer_lowered  }
0x9b: {  	s22 =	simm.s32 $0x1BFF;
	s21 =	sshll.u32 s6, $0x1;
	s3 =	sadd.s32 s4, s19  }
0x9c: {  	s7 =	simm.s32 $0x0;
	s20 =	sshll.u32 s5, $0x1;
	s5 =	sadd.s32 s21, s3  }
0x9d: {  	[timem:s7], [sflag:s22] =	dma.local [hbm:s5], s20  }
0x9e: {  	_ =	swait.ge [sflag:s22], s20  }
0x9f: {  	s4 =	ssub.s32 $0x0, s20;
	[sflag:s22] =	ssyncset.done $0x0  }
0xa0: {  	[sflag:s22] =	ssyncadd.s32 s4;
	_ =	sdelay $0x1  }
0xa1: {  	s23 =	simm.s32 $0x1B8B  }
0xa2: {  	_ =	swait.ge [sflag:s23], $0x1  }
0xa3: {  	[sflag:s23] =	ssyncset.done $0x0  }
0xa4: {  	s25 =	simm.s32 $0x1B8E;
	s24 =	sld [smem:$0x3FFE];
	[sflag:s23] =	ssyncadd.s32 $0xFFFFFFFF  }
0xa5: {  	s26 =	simm.s32 $execute0_lowered;
	[smem:$0x3FD2] =	sst s25  }
0xa6: {  	s5 =	sshll.u32 s26, $0x1;
	_ =	strace $0x80000046;
	[dreg:$0x1] =	wrdreg $0xFFFFFFFF  }
0xa7: {  	s28 =	simm.s32 $_size_execute0_lowered;
	s3 =	sadd.s32 s3, s5;
	[dreg:$0x0] =	wrdreg $0x0  }
0xa8: {  	s5 =	sshll.u32 s28, $0x1;
	[dreg:$0x2] =	wrdreg s3  }
0xa9: {  	[dreg:$0x3] =	wrdreg s5  }
0xaa: {  	[dreg:$0x4] =	wrdreg $0xC0  }
0xab: {  	_ =	task [dreg:s7], $0x5FFFF  }
0xac: {  	[dreg:$0x1] =	wrdreg $0xFFFFFFFF  }
0xad: {  	[dreg:$0x0] =	wrdreg $0x60  }
0xae: {  	[dreg:$0x2] =	wrdreg s24  }
0xaf: {  	[dreg:$0x3] =	wrdreg s2  }
0xb0: {  	[dreg:$0x4] =	wrdreg $0xAA000  }
0xb1: {  	[dreg:$0x5] =	wrdreg $0x9  }
0xb2: {  	_ =	task.clear_ibuf [dreg:s7], $0x6FFFF;
	_ =	strace $0x90000046  }
0xb3: {  	s29 =	simm.s32 $0x9;
	_ =	strace $0x80000048  }
0xb4: {  	_ =	swait.ge [sflag:s29], $0x1  }
0xb5: {  	[sflag:s29] =	ssyncadd.s32 $0xFFFFFFFF  }
0xb6: {  	_ =	strace $0x90000048  }
0xb7: {  	_ =	sfence  }
0xb8: {  	s30 =	sld [smem:$0x0];
	_ =	sdelay $0x2  }
0xb9: {  	s31 =	sshll.u32 s1, $0xD;
	s1 =	sshrl.u32 s1, $0x2  }
0xba: {  	s3 =	sand.u32 $0x4000, s31;
	s1 =	sadd.s32 s1, s30  }
0xbb: {  	s0 =	sor.u32 s3, s0;
	s1 =	sshll.u32 s1, $0x11  }
0xbc: {  	s0 =	sor.u32 s1, s0  }
0xbd: {  	s0 =	sadd.s32 $0x8F2B, s0  }
0xbe: {  	[sflag:s0] =	ssyncadd.remote.s32 $0x1  }
0xbf: {  	_ =	sfence.sel $0xFFFF  }
0xc0: {  	[dreg:$0x0] =	wrdreg $0xFFFFFFFF;
	(pc) =	sbr.abs _section_cstart, $3  }
0xc1: {  	[dreg:$0x1] =	wrdreg $0xFFFFFFFF  }
0xc2: {  	_ =	task.clear_ibuf [dreg:s7], $0x2FFFF;
	_ =	strace $0x9FFFFFFF  }
0xc3: {  	(tm) =	ssettm $0x7FFFFFFF  }
tec
execute0_lowered:
.L_overlay_start_1:
0x0: {  	(tag) =	ssettag $0x1  }
0x1: {  	s0 =	rddreg [dreg:$0x0]  }
0x2: {  	s2 =	rddreg [dreg:$0x1]  }
0x3: {  	s3 =	rddreg [dreg:$0x2];
	s1 =	srdreg.scid  }
0x4: {  	s18 =	stileid.u32;
	s4 =	simm.s32 $0x0;
	s28 =	simm.s32 $0x100  }
0x5: {  	s29 =	simm.s32 $0x80;
	s30 =	simm.s32 $0x200;
	s31 =	simm.s32 $0x180  }
0x6: {  	s1 =	sand.u32 $0x1, s1;
	s5 =	sshll.u32 s18, $0x1;
	s11 =	smul.u32 $0x50000, s18  }
0x7: {  	[smem:$0x7FF] =	sst s4;
	s6 =	sadd.s32 $0xE00, s0;
	s13 =	smul.u32 $0x14000, s18  }
0x8: {  	s8 =	sadd.s32 $0xAE00, s0;
	s20 =	sshll.u32 s18, $0x6;
	s18 =	smul.u32 $0x5000, s18  }
0x9: {  	s9 =	sadd.s32 $0x15600, s0;
	s5 =	sor.u32 s1, s5;
	s15 =	smul.u32 $0x140000, s1  }
0xa: {  	_ =	strace $0x80000047;
	s17 =	ssub.s32 $0x2, s1;
	s1 =	smul.u32 $0x2800, s1  }
0xb: {  	s7 =	smul.u32 $0x2800, s5;
	s5 =	sadd.s32 $0x14E00, s0;
	s12 =	sshrl.u32 s17, $0x1  }
0xc: {  	s19 =	sshrl.u32 s11, $0x2;
	s21 =	sadd.s32 $0x4000, s13;
	s22 =	sadd.s32 $0x8000, s13  }
0xd: {  	s23 =	sadd.s32 $0xC000, s13;
	s12 =	ssub.s32 s17, s12;
	s14 =	sadd.s32 s21, s3  }
0xe: {  	s16 =	sadd.s32 s22, s3;
	s17 =	sadd.s32 $0x10000, s13;
	s13 =	sadd.s32 s13, s15  }
0xf: {  	s1 =	sadd.s32 s1, s18;
	s10 =	sshrl.u32 s7, $0x3;
	[dreg:$0x5] =	wrdreg s14  }
0x10: {  	s7 =	sadd.s32 s19, s3;
	[dreg:$0x6] =	wrdreg s16;
	s19 =	sadd.s32 s23, s3  }
0x11: {  	s24 =	sadd.s32 s17, s3;
	s26 =	sshrl.u32 s13, $0x3;
	[dreg:$0x4] =	wrdreg s7  }
0x12: {  	s13 =	sadd.s32 s15, s21;
	s21 =	sadd.s32 s15, s17;
	[dreg:$0x7] =	wrdreg s19  }
0x13: {  	s0 =	sadd.s32 s10, s0;
	s7 =	sor.u32 $0x1C03, s20;
	[dreg:$0x8] =	wrdreg s24  }
0x14: {  	s25 =	sadd.s32 s6, s10;
	s10 =	sadd.s32 s8, s10;
	s19 =	sadd.s32 s15, s22  }
0x15: {  	s20 =	sadd.s32 s15, s23;
	s24 =	sshrl.u32 s21, $0x3;
	[dreg:$0x9] =	wrdreg s25  }
0x16: {  	[dreg:$0xa] =	wrdreg s10;
	s10 =	sadd.s32 s9, s26;
	s11 =	sshrl.u32 s19, $0x3  }
0x17: {  	s23 =	sshrl.u32 s20, $0x3;
	s18 =	sadd.s32 s9, s24;
	s19 =	sadd.s32 $0x65600, s0  }
0x18: {  	s25 =	sor.u32 $0x100, s1;
	s20 =	smax.u32 s12, $0x1;
	s1 =	sor.u32 $0x80, s1  }
0x19: {  	[dreg:$0xb] =	wrdreg s10;
	s10 =	sshrl.u32 s13, $0x3;
	s22 =	sadd.s32 s9, s11  }
0x1a: {  	s0 =	sshrl.u32 s25, $0x3;
	s26 =	sshrl.u32 s1, $0x3;
	s25 =	simm.s32 $0x3  }
.Ltmp0:
0x1b: {  	s1 =	simm.s32 $0x4200;
	s10 =	sadd.s32 s9, s10;
	(pc) =	sbr.rel .LBB2_1-.Ltmp0, $4  }
0x1c: {  	[dreg:$0xd] =	wrdreg s22;
	s21 =	sadd.s32 s0, s8;
	s22 =	sadd.s32 s0, s6  }
0x1d: {  	s24 =	sadd.s32 s26, s6;
	s0 =	simm.s32 $0x1;
	s6 =	simm.s32 $0x2  }
0x1e: {  	[dreg:$0xc] =	wrdreg s10;
	s10 =	sadd.s32 s9, s23;
	s23 =	sadd.s32 s26, s8  }
0x1f: {  	v0 =	vimm.f32 $1.000000000e+00;
	s26 =	simm.s32 $0x8200;
	s8 =	simm.s32 $0x0;
	[dreg:$0xe] =	wrdreg s10  }
.LBB2_4:
0x20: {  	_ =	swait.ge [sflag:s6], $0x4000  }
0x21: {  	[sflag:s6] =	ssyncset.done $0x0  }
0x22: {  	[sflag:s6] =	ssyncadd.s32 $0xFFFFC000  }
0x23: {  	[spmem:s3] =	stream.indirect.scatter.add.f32 [tilespmem:s1], [sflag:$0x3], $0x80, s31, s29, $0xb8;
	[tilespmem:$0x1EA00] =	vst v63  }
0x24: {  	_ =	swait.ge [sflag:s25], $0x4000  }
0x25: {  	[sflag:s25] =	ssyncset.done $0x0  }
0x26: {  	[sflag:s25] =	ssyncadd.s32 $0xFFFFC000  }
0x27: {  	v1 =	vld [tilespmem:$0x180];
	_ =	sdelay $0x7  }
0x28: {  	[tilespmem:v1+s26+$0x0] =	vst.idx.add.f32.msk $0xffff, v0  }
0x29: {  	v1 =	vld [tilespmem:$0x190];
	_ =	sdelay $0x7  }
0x2a: {  	[tilespmem:v1+s26+$0x0] =	vst.idx.add.f32.msk $0xffff, v0  }
0x2b: {  	v1 =	vld [tilespmem:$0x1A0];
	_ =	sdelay $0x7  }
0x2c: {  	[tilespmem:v1+s26+$0x0] =	vst.idx.add.f32.msk $0xffff, v0  }
0x2d: {  	v1 =	vld [tilespmem:$0x1B0];
	_ =	sdelay $0x7  }
0x2e: {  	[tilespmem:v1+s26+$0x0] =	vst.idx.add.f32.msk $0xffff, v0  }
0x2f: {  	v1 =	vld [tilespmem:$0x1C0];
	_ =	sdelay $0x7  }
0x30: {  	[tilespmem:v1+s26+$0x0] =	vst.idx.add.f32.msk $0xffff, v0  }
0x31: {  	v1 =	vld [tilespmem:$0x1D0];
	_ =	sdelay $0x7  }
0x32: {  	[tilespmem:v1+s26+$0x0] =	vst.idx.add.f32.msk $0xffff, v0  }
0x33: {  	v1 =	vld [tilespmem:$0x1E0];
	_ =	sdelay $0x7  }
0x34: {  	[tilespmem:v1+s26+$0x0] =	vst.idx.add.f32.msk $0xffff, v0  }
0x35: {  	v1 =	vld [tilespmem:$0x1F0];
	_ =	sdelay $0x7  }
0x36: {  	[tilespmem:v1+s26+$0x0] =	vst.idx.add.f32.msk $0xffff, v0  }
0x37: {  	[bflag:$0x0] =	sbarrier.arrive $0xFFFF  }
0x38: {  	s14 =	rddreg [dreg:$0xb]  }
0x39: {  	[hbm:s14], [sflag:s7] =	dma.local [spmem:s9], $0x800  }
0x3a: {  	_ =	swait.ge [sflag:s25], $0x800  }
0x3b: {  	[sflag:s25] =	ssyncset.done $0x0  }
0x3c: {  	s15 =	rddreg [dreg:$0xc];
	[sflag:s25] =	ssyncadd.s32 $0xFFFFF800  }
0x3d: {  	[hbm:s15], [sflag:s7] =	dma.local [spmem:s10], $0x800  }
0x3e: {  	_ =	swait.ge [sflag:s25], $0x800  }
0x3f: {  	[sflag:s25] =	ssyncset.done $0x0  }
0x40: {  	s16 =	rddreg [dreg:$0xd];
	[sflag:s25] =	ssyncadd.s32 $0xFFFFF800  }
0x41: {  	[hbm:s16], [sflag:s7] =	dma.local [spmem:s11], $0x800  }
0x42: {  	_ =	swait.ge [sflag:s25], $0x800  }
0x43: {  	[sflag:s25] =	ssyncset.done $0x0  }
0x44: {  	s17 =	rddreg [dreg:$0xe];
	[sflag:s25] =	ssyncadd.s32 $0xFFFFF800  }
0x45: {  	[hbm:s17], [sflag:s7] =	dma.local [spmem:s12], $0x800  }
0x46: {  	_ =	swait.ge [sflag:s25], $0x800  }
0x47: {  	[sflag:s25] =	ssyncset.done $0x0  }
0x48: {  	[sflag:s25] =	ssyncadd.s32 $0xFFFFF800  }
0x49: {  	[hbm:s18], [sflag:s7] =	dma.local [spmem:s13], $0x800  }
0x4a: {  	s8 =	sadd.s32 $0x1, s8;
	_ =	swait.ge [sflag:s25], $0x800  }
0x4b: {  	p0 =	sne.s32 s8, s20;
	[sflag:s25] =	ssyncset.done $0x0  }
.Ltmp1:
0x4c: {  	[sflag:s25] =	ssyncadd.s32 $0xFFFFF800;
	(pc) =	sbr.rel @!p0 .LBB2_5-.Ltmp1, $4  }
0x4d: {  	[hbm4b:s19+s4] =	stream.linear.scatter [tilespmem:s26], [sflag:$0x3], $0x2800, $0x38;
	[tilespmem:$0x1EA00] =	vst v63  }
0x4e: {  	_ =	swait.ge [sflag:s25], $0x2800  }
0x4f: {  	[sflag:s25] =	ssyncset.done $0x0  }
0x50: {  	[sflag:s25] =	ssyncadd.s32 $0xFFFFD800  }
.LBB2_1:
0x51: {  	s9 =	rddreg [dreg:$0x4]  }
0x52: {  	s9 =	sshrl.u32 s9, $0x3  }
0x53: {  	[spmem:s9], [sflag:s7] =	dma.local [hbm:s5], $0x800  }
0x54: {  	_ =	swait.ge [sflag:s25], $0x800  }
0x55: {  	[sflag:s25] =	ssyncset.done $0x0;
	s10 =	rddreg [dreg:$0x5]  }
0x56: {  	[sflag:s25] =	ssyncadd.s32 $0xFFFFF800;
	s10 =	sshrl.u32 s10, $0x3  }
0x57: {  	[spmem:s10], [sflag:s7] =	dma.local [hbm:s5], $0x800  }
0x58: {  	_ =	swait.ge [sflag:s25], $0x800  }
0x59: {  	[sflag:s25] =	ssyncset.done $0x0;
	s11 =	rddreg [dreg:$0x6]  }
0x5a: {  	[sflag:s25] =	ssyncadd.s32 $0xFFFFF800;
	s11 =	sshrl.u32 s11, $0x3  }
0x5b: {  	[spmem:s11], [sflag:s7] =	dma.local [hbm:s5], $0x800  }
0x5c: {  	_ =	swait.ge [sflag:s25], $0x800  }
0x5d: {  	[sflag:s25] =	ssyncset.done $0x0;
	s12 =	rddreg [dreg:$0x7]  }
0x5e: {  	[sflag:s25] =	ssyncadd.s32 $0xFFFFF800;
	s12 =	sshrl.u32 s12, $0x3  }
0x5f: {  	[spmem:s12], [sflag:s7] =	dma.local [hbm:s5], $0x800  }
0x60: {  	_ =	swait.ge [sflag:s25], $0x800  }
0x61: {  	[sflag:s25] =	ssyncset.done $0x0;
	s13 =	rddreg [dreg:$0x8]  }
0x62: {  	[sflag:s25] =	ssyncadd.s32 $0xFFFFF800;
	s13 =	sshrl.u32 s13, $0x3  }
0x63: {  	[spmem:s13], [sflag:s7] =	dma.local [hbm:s5], $0x800  }
0x64: {  	_ =	swait.ge [sflag:s25], $0x800  }
0x65: {  	[sflag:s25] =	ssyncset.done $0x0  }
0x66: {  	[sflag:s25] =	ssyncadd.s32 $0xFFFFF800  }
0x67: {  	[tilespmem:s26], [sflag:$0x3] =	stream.linear.gather [hbm4b:s5+s4], $0x2800, $0x38;
	[tilespmem:$0x1EA00] =	vst v63  }
0x68: {  	_ =	swait.ge [sflag:s25], $0x2800  }
0x69: {  	[sflag:s25] =	ssyncset.done $0x0  }
0x6a: {  	[sflag:s25] =	ssyncadd.s32 $0xFFFFD800  }
0x6b: {  	[bflag:$0x0] =	sbarrier.arrive $0xFFFF  }
0x6c: {  	s14 =	rddreg [dreg:$0x9]  }
0x6d: {  	[tilespmem:s4], [sflag:$0x3] =	stream.linear.gather [hbm4b:s14+s4], $0x80, $0x38;
	[tilespmem:$0x1EA00] =	vst v63  }
0x6e: {  	_ =	swait.ge [sflag:s25], $0x80  }
0x6f: {  	[sflag:s25] =	ssyncset.done $0x0  }
0x70: {  	s17 =	rddreg [dreg:$0xa];
	[sflag:s25] =	ssyncadd.s32 $0xFFFFFF80  }
0x71: {  	[tilespmem:s28], [sflag:$0x3] =	stream.linear.gather [hbm4b:s17+s4], $0x80, $0x38;
	[tilespmem:$0x1EA00] =	vst v63  }
0x72: {  	_ =	swait.ge [sflag:s25], $0x80  }
0x73: {  	[sflag:s25] =	ssyncset.done $0x0  }
0x74: {  	s14 =	simm.s32 $0x0;
	[sflag:s25] =	ssyncadd.s32 $0xFFFFFF80  }
0x75: {  	[tilespmem:s30], [sflag:$0x1] =	stream.indirect.gather [hbm4b:s2+s29], $0x80, s4, s29, $0xb8;
	[tilespmem:$0x1EA00] =	vst v63  }
.LBB2_2:
0x76: {  	p0 =	seq.s32 s14, $0x0  }
0x77: {  	s15 =	simm.s32 @!p0 $0x80;
	s16 =	simm.s32 @!p0 $0x180;
	s17 =	simm.s32 @!p0 $0x4200  }
0x78: {  	[spmem:s3] =	stream.indirect.scatter.add.f32 @!p0 [tilespmem:s17], [sflag:$0x3], $0x80, s16, s15, $0xb8;
	[tilespmem:$0x1EA00] =	vst v63  }
0x79: {  	s15 =	simm.s32 @!p0 $0x3  }
0x7a: {  	_ =	swait.ge @!p0 [sflag:s15], $0x4000  }
0x7b: {  	[sflag:s15] =	ssyncset.done @!p0 $0x0  }
0x7c: {  	[sflag:s15] =	ssyncadd.s32 @!p0 $0xFFFFC000  }
0x7d: {  	v1 =	vld @!p0 [tilespmem:$0x180];
	_ =	sdelay $0x6  }
0x7e: {  	v2 =	vimm.f32 @!p0 $1.000000000e+00;
	s15 =	simm.s32 @!p0 $0x8200  }
0x7f: {  	[tilespmem:v1+s15+$0x0] =	vst.idx.add.f32.msk @!p0 $0xffff, v2  }
0x80: {  	v1 =	vld @!p0 [tilespmem:$0x190];
	_ =	sdelay $0x7  }
0x81: {  	[tilespmem:v1+s15+$0x0] =	vst.idx.add.f32.msk @!p0 $0xffff, v2  }
0x82: {  	v1 =	vld @!p0 [tilespmem:$0x1A0];
	_ =	sdelay $0x7  }
0x83: {  	[tilespmem:v1+s15+$0x0] =	vst.idx.add.f32.msk @!p0 $0xffff, v2  }
0x84: {  	v1 =	vld @!p0 [tilespmem:$0x1B0];
	_ =	sdelay $0x7  }
0x85: {  	[tilespmem:v1+s15+$0x0] =	vst.idx.add.f32.msk @!p0 $0xffff, v2  }
0x86: {  	v1 =	vld @!p0 [tilespmem:$0x1C0];
	_ =	sdelay $0x7  }
0x87: {  	[tilespmem:v1+s15+$0x0] =	vst.idx.add.f32.msk @!p0 $0xffff, v2  }
0x88: {  	v1 =	vld @!p0 [tilespmem:$0x1D0];
	_ =	sdelay $0x7  }
0x89: {  	[tilespmem:v1+s15+$0x0] =	vst.idx.add.f32.msk @!p0 $0xffff, v2  }
0x8a: {  	v1 =	vld @!p0 [tilespmem:$0x1E0];
	_ =	sdelay $0x7  }
0x8b: {  	[tilespmem:v1+s15+$0x0] =	vst.idx.add.f32.msk @!p0 $0xffff, v2  }
0x8c: {  	v1 =	vld @!p0 [tilespmem:$0x1F0];
	_ =	sdelay $0x7  }
0x8d: {  	s16 =	sadd.s32 s14, s24;
	[tilespmem:v1+s15+$0x0] =	vst.idx.add.f32.msk @!p0 $0xffff, v2  }
0x8e: {  	[tilespmem:s29], [sflag:$0x3] =	stream.linear.gather [hbm4b:s16+s4], $0x80, $0x38;
	[tilespmem:$0x1EA00] =	vst v63  }
0x8f: {  	_ =	swait.ge [sflag:s25], $0x80  }
0x90: {  	[sflag:s25] =	ssyncset.done $0x0  }
0x91: {  	s17 =	sadd.s32 s14, s23;
	[sflag:s25] =	ssyncadd.s32 $0xFFFFFF80  }
0x92: {  	[tilespmem:s31], [sflag:$0x3] =	stream.linear.gather [hbm4b:s17+s4], $0x80, $0x38;
	[tilespmem:$0x1EA00] =	vst v63  }
0x93: {  	_ =	swait.ge [sflag:s25], $0x80  }
0x94: {  	[sflag:s25] =	ssyncset.done $0x0  }
0x95: {  	[sflag:s25] =	ssyncadd.s32 $0xFFFFFF80  }
0x96: {  	_ =	swait.ge [sflag:s0], $0x4000  }
0x97: {  	[sflag:s0] =	ssyncset.done $0x0  }
0x98: {  	[sflag:s0] =	ssyncadd.s32 $0xFFFFC000  }
0x99: {  	[tilespmem:s1], [sflag:$0x2] =	stream.indirect.gather [hbm4b:s2+s29], $0x80, s29, s29, $0xb8;
	[tilespmem:$0x1EA00] =	vst v63  }
0x9a: {  	_ = 	snop  }
0x9b: {  	[spmem:s3] =	stream.indirect.scatter.add.f32 [tilespmem:s30], [sflag:$0x3], $0x80, s28, s29, $0xb8;
	[tilespmem:$0x1EA00] =	vst v63  }
0x9c: {  	_ =	swait.ge [sflag:s25], $0x4000  }
0x9d: {  	[sflag:s25] =	ssyncset.done $0x0  }
0x9e: {  	[sflag:s25] =	ssyncadd.s32 $0xFFFFC000  }
0x9f: {  	v1 =	vld [tilespmem:$0x100];
	_ =	sdelay $0x7  }
0xa0: {  	[tilespmem:v1+s26+$0x0] =	vst.idx.add.f32.msk $0xffff, v0  }
0xa1: {  	v1 =	vld [tilespmem:$0x110];
	_ =	sdelay $0x7  }
0xa2: {  	[tilespmem:v1+s26+$0x0] =	vst.idx.add.f32.msk $0xffff, v0  }
0xa3: {  	v1 =	vld [tilespmem:$0x120];
	_ =	sdelay $0x7  }
0xa4: {  	[tilespmem:v1+s26+$0x0] =	vst.idx.add.f32.msk $0xffff, v0  }
0xa5: {  	v1 =	vld [tilespmem:$0x130];
	_ =	sdelay $0x7  }
0xa6: {  	[tilespmem:v1+s26+$0x0] =	vst.idx.add.f32.msk $0xffff, v0  }
0xa7: {  	v1 =	vld [tilespmem:$0x140];
	_ =	sdelay $0x7  }
0xa8: {  	[tilespmem:v1+s26+$0x0] =	vst.idx.add.f32.msk $0xffff, v0  }
0xa9: {  	v1 =	vld [tilespmem:$0x150];
	_ =	sdelay $0x7  }
0xaa: {  	[tilespmem:v1+s26+$0x0] =	vst.idx.add.f32.msk $0xffff, v0  }
0xab: {  	v1 =	vld [tilespmem:$0x160];
	_ =	sdelay $0x7  }
0xac: {  	[tilespmem:v1+s26+$0x0] =	vst.idx.add.f32.msk $0xffff, v0  }
0xad: {  	v1 =	vld [tilespmem:$0x170];
	_ =	sdelay $0x2  }
0xae: {  	p0 =	seq.s32 s14, $0x4E0  }
.Ltmp2:
0xaf: {  	_ = 	snop;
	(pc) =	sbr.rel @p0 .LBB2_4-.Ltmp2, $2  }
0xb0: {  	_ =	sdelay $0x2  }
0xb1: {  	[tilespmem:v1+s26+$0x0] =	vst.idx.add.f32.msk $0xffff, v0  }
0xb2: {  	s15 =	sadd.s32 s14, s22  }
0xb3: {  	[tilespmem:s4], [sflag:$0x3] =	stream.linear.gather [hbm4b:s15+s4], $0x80, $0x38;
	[tilespmem:$0x1EA00] =	vst v63  }
0xb4: {  	_ =	swait.ge [sflag:s25], $0x80  }
0xb5: {  	[sflag:s25] =	ssyncset.done $0x0  }
0xb6: {  	s17 =	sadd.s32 s14, s21;
	[sflag:s25] =	ssyncadd.s32 $0xFFFFFF80  }
0xb7: {  	[tilespmem:s28], [sflag:$0x3] =	stream.linear.gather [hbm4b:s17+s4], $0x80, $0x38;
	[tilespmem:$0x1EA00] =	vst v63  }
0xb8: {  	_ =	swait.ge [sflag:s25], $0x80  }
0xb9: {  	[sflag:s25] =	ssyncset.done $0x0  }
.Ltmp3:
0xba: {  	[sflag:s25] =	ssyncadd.s32 $0xFFFFFF80;
	(pc) =	sbr.rel .LBB2_2-.Ltmp3, $4  }
0xbb: {  	_ =	swait.ge [sflag:s6], $0x4000  }
0xbc: {  	[sflag:s6] =	ssyncset.done $0x0  }
0xbd: {  	s14 =	sadd.s32 $0x20, s14;
	[sflag:s6] =	ssyncadd.s32 $0xFFFFC000  }
0xbe: {  	[tilespmem:s30], [sflag:$0x1] =	stream.indirect.gather [hbm4b:s2+s29], $0x80, s4, s29, $0xb8;
	[tilespmem:$0x1EA00] =	vst v63  }
.LBB2_5:
0xbf: {  	_ =	sfence.sel $0x180000  }
0xc0: {  	[bflag:$0x0] =	sbarrier.arrive $0xFFFF  }
0xc1: {  	_ =	strace $0x90000047  }
0xc2: {  	s0 =	stileid.u32;
	[bflag:$0x2] =	sbarrier.arrive $0xFFFF  }
0xc3: {  	p0 =	sne.s32 s0, $0x0;
	s0 =	rddreg [dreg:$0x3]  }
0xc4: {  	s0 =	sadd.s32 @!p0 $0x100000, s0  }
0xc5: {  	[sflag:s0] =	ssyncadd.tile.s32 @!p0 $0x1;
	_ =	shalt  }
.Lfunc_end2:
_tile_overlayer_lowered:
.L_overlay_start_2:
0xc6: {  	(tag) =	ssettag $0x2  }
0xc7: {  	s0 =	rddreg [dreg:$0x0];
	s2 =	stileid.u32  }
0xc8: {  	s1 =	rddreg [dreg:$0x1];
	p0 =	sne.s32 s2, $0x0  }
0xc9: {  	s3 =	rddreg [dreg:$0x2];
	[bflag:$0x3] =	sbarrier.arrive $0xFFFF;
	s2 =	simm.s32 @!p0 $0x1C03  }
0xca: {  	[timem:s3], [sflag:s2] =	dma.local @!p0 [hbm:s0], s1  }
0xcb: {  	s0 =	simm.s32 @!p0 $0x3  }
0xcc: {  	_ =	swait.ge @!p0 [sflag:s0], s1  }
0xcd: {  	s1 =	ssub.s32 @!p0 $0x0, s1;
	[sflag:s0] =	ssyncset.done @!p0 $0x0  }
0xce: {  	[sflag:s0] =	ssyncadd.s32 @!p0 s1  }
0xcf: {  	[bflag:$0x3] =	sbarrier.arrive $0xFFFF  }
0xd0: {  	_ =	shalt  }

</sc_bundles>
